<compile_context>
chip_gen: v7x
topology: tpu7x:2x2x1
jax: 0.10.2.dev20260603
libtpu: 0.0.44.dev20260713+nightly
codegen_flags: <defaults>
</compile_context>

<pallas_src>
import dataclasses
import functools

import jax
import jax.numpy as jnp
from jax import lax
from jax.experimental import pallas as pl
from jax.experimental.pallas import tpu as pltpu
from jax.experimental.pallas import tpu_sc as plsc

NEG_SLOPE = 0.2
NC = 2
NS = 16
LANES = 16
NW = NC * NS


def _proj_body(x_ref, w2t_ref, out_ref):
    p = lax.dot_general(w2t_ref[...], x_ref[...], (((1,), (1,)), ((), ())),
                        preferred_element_type=jnp.float32)
    xp = p[0, :]
    vs = p[1, :]
    es = jnp.exp(jnp.where(vs >= 0.0, vs, vs * NEG_SLOPE))
    out_ref[0, :] = xp
    out_ref[1, :] = es


def _edge_body(n, e_lo, e_hi, ei_hbm, proj_hbm, att_hbm, num_hbm, den_hbm,
               ei_v, ext_v, xp_v, att_v, num_v, den_v, sem):
    wid = lax.axis_index("s") * NC + lax.axis_index("c")
    last = NW - 1
    base = wid * e_lo
    c1 = pltpu.async_copy(ei_hbm.at[:, pl.ds(base, e_lo)], ei_v, sem)
    c3 = pltpu.async_copy(proj_hbm.at[0], xp_v, sem)
    c4 = pltpu.async_copy(att_hbm, att_v, sem)

    @pl.when(wid == last)
    def _():
        pltpu.async_copy(ei_hbm.at[:, pl.ds(NW * e_lo, e_hi - e_lo)],
                         ext_v, sem).wait()

    zeros = jnp.zeros((LANES,), jnp.float32)

    @pl.loop(0, n, step=LANES * 5)
    def _(i):
        for u in range(5):
            num_v[pl.ds(i + u * LANES, LANES)] = zeros
            den_v[pl.ds(i + u * LANES, LANES)] = zeros

    c1.wait()
    c3.wait()
    c4.wait()

    att_s = att_v[0, :]
    att_d = att_v[1, :]

    def edge_step(edges_ref, i):
        s16 = edges_ref[0, pl.ds(i, LANES)]
        d16 = edges_ref[1, pl.ds(i, LANES)]
        xs = plsc.load_gather(xp_v, [s16])
        xd = plsc.load_gather(xp_v, [d16])
        v = xs * att_s + xd * att_d
        v = jnp.where(v >= 0.0, v, v * NEG_SLOPE)
        ev = jnp.exp(v)
        plsc.addupdate_scatter(den_v, [d16], ev)
        plsc.addupdate_scatter(num_v, [d16], xs * ev)

    @plsc.parallel_loop(0, e_lo, LANES, unroll=8)
    def _(i):
        edge_step(ei_v, i)

    @pl.when(wid == last)
    def _():
        @plsc.parallel_loop(0, e_hi - e_lo, LANES, unroll=8)
        def _(i):
            edge_step(ext_v, i)

    pltpu.async_copy(num_v, num_hbm.at[wid], sem).wait()
    pltpu.async_copy(den_v, den_hbm.at[wid], sem).wait()


def _final_body(proj_ref, num_ref, den_ref, bias_ref, out_ref):
    xp = proj_ref[0, :]
    es = proj_ref[1, :]
    num = jnp.sum(num_ref[...], axis=0) + xp * es
    den = jnp.sum(den_ref[...], axis=0) + es
    out_ref[...] = num / (den + 1e-16) + bias_ref[0]


def kernel(x, edge_index, W, att_src, att_dst, bias):
    n, f = x.shape
    e = edge_index.shape[1]
    e_lo = (e // NW) // 128 * 128
    e_hi = e - (NW - 1) * e_lo
    assert e_lo > 0 and e_hi >= e_lo
    assert e_lo % (LANES * 8) == 0 and (e_hi - e_lo) % (LANES * 8) == 0
    assert n % (LANES * 5) == 0

    w2t = jnp.stack([W[:, 0], W[:, 0] * (att_src[0] + att_dst[0])])
    att16 = jnp.stack([jnp.broadcast_to(att_src, (LANES,)),
                       jnp.broadcast_to(att_dst, (LANES,))])

    proj = pl.pallas_call(
        _proj_body,
        out_shape=jax.ShapeDtypeStruct((2, n), jnp.float32),
    )(x, w2t)

    mesh = plsc.VectorSubcoreMesh(core_axis_name="c", subcore_axis_name="s",
                                  num_cores=NC, num_subcores=NS)
    cp = pltpu.CompilerParams()
    if "needs_layout_passes" in pltpu.CompilerParams.__dataclass_fields__:
        cp = dataclasses.replace(cp, needs_layout_passes=False)
    edge_kernel = pl.kernel(
        functools.partial(_edge_body, n, e_lo, e_hi),
        out_type=(jax.ShapeDtypeStruct((NW, n), jnp.float32),
                  jax.ShapeDtypeStruct((NW, n), jnp.float32)),
        mesh=mesh,
        scratch_types=[
            pltpu.VMEM((2, e_lo), jnp.int32),
            pltpu.VMEM((2, e_hi - e_lo), jnp.int32),
            pltpu.VMEM((n,), jnp.float32),
            pltpu.VMEM((2, LANES), jnp.float32),
            pltpu.VMEM((n,), jnp.float32),
            pltpu.VMEM((n,), jnp.float32),
            pltpu.SemaphoreType.DMA,
        ],
        compiler_params=cp,
    )
    num_p, den_p = edge_kernel(edge_index, proj, att16)

    out = pl.pallas_call(
        _final_body,
        in_specs=[pl.BlockSpec(memory_space=pltpu.VMEM),
                  pl.BlockSpec(memory_space=pltpu.VMEM),
                  pl.BlockSpec(memory_space=pltpu.VMEM),
                  pl.BlockSpec(memory_space=pltpu.SMEM)],
        out_shape=jax.ShapeDtypeStruct((n,), jnp.float32),
    )(proj, num_p, den_p, bias)

    return out[:, None]

# --- scband reference (transcript-rebuilt; emitter-appended) ---
"""Pipeline reference for scband-gat-46291157516305 (READ-ONLY COPY).

The authoritative reference and input builder live on the scoring server;
editing this copy changes nothing except your own understanding.
"""

import jax, jax.numpy as jnp
import numpy as np

N = 10000
E = 320000
F = 128
NEG_SLOPE = 0.2

def setup_inputs(seed: int = 0) -> dict:
    key = jax.random.key(seed)
    k1, k2, k3, k4, k5 = jax.random.split(key, 5)
    x = jax.random.normal(k1, (N, F), dtype=jnp.float32)
    edge_index = jax.random.randint(k2, (2, E), 0, N, dtype=jnp.int32)
    W = jax.random.normal(k3, (F, 1), dtype=jnp.float32) * 0.1
    att_src = jax.random.normal(k4, (1,), dtype=jnp.float32) * 0.1
    att_dst = jax.random.normal(k5, (1,), dtype=jnp.float32) * 0.1
    bias = jnp.zeros((1,), dtype=jnp.float32)
    return {"x": x, "edge_index": edge_index, "W": W, "att_src": att_src, "att_dst": att_dst, "bias": bias}


def reference(x, edge_index, W, att_src, att_dst, bias):
    # Faithful translation of PyG GATConv(in_channels, 1, heads=1, concat=False)
    # (only conv1 is used in the original forward).
    n = x.shape[0]
    xp = x @ W  # [N, 1] linear projection (bias=False, as in GATConv lin)
    # add self loops (GATConv default add_self_loops=True)
    loop = jnp.arange(n, dtype=edge_index.dtype)
    src = jnp.concatenate([edge_index[0], loop])
    dst = jnp.concatenate([edge_index[1], loop])
    a_src = (xp * att_src[None, :]).sum(axis=-1)  # [N]
    a_dst = (xp * att_dst[None, :]).sum(axis=-1)  # [N]
    e = a_src[src] + a_dst[dst]  # gather per edge
    e = jax.nn.leaky_relu(e, NEG_SLOPE)
    # segment softmax over destination nodes
    m = jax.ops.segment_max(e, dst, num_segments=n)
    m = jax.lax.stop_gradient(m)
    ex = jnp.exp(e - m[dst])
    denom = jax.ops.segment_sum(ex, dst, num_segments=n)
    alpha = ex / (denom[dst] + 1e-16)
    msg = xp[src] * alpha[:, None]  # gather + weight
    out = jax.ops.segment_sum(msg, dst, num_segments=n)  # scatter-add
    return out + bias[None, :]

if __name__ == "__main__":
    import jax
    _d = setup_inputs()
    print(jax.jit(kernel)(*tuple(_d.values())))

</pallas_src>

<mosaic_0001>
#map = affine_map<(d0, d1) -> (0, 0)>
module attributes {stable_mosaic.version = 14 : i64} {
  func.func @_edge_body(%arg0: i32, %arg1: i32, %arg2: memref<2x320000xi32, #tpu.memory_space<hbm>>, %arg3: memref<2x10000xf32, #tpu.memory_space<hbm>>, %arg4: memref<2x16xf32, #tpu.memory_space<hbm>>, %arg5: memref<32x10000xf32, #tpu.memory_space<hbm>>, %arg6: memref<32x10000xf32, #tpu.memory_space<hbm>>, %arg7: memref<2x9984xi32, #tpu.memory_space<vmem>>, %arg8: memref<2x512xi32, #tpu.memory_space<vmem>>, %arg9: memref<10000xf32, #tpu.memory_space<vmem>>, %arg10: memref<2x16xf32, #tpu.memory_space<vmem>>, %arg11: memref<10000xf32, #tpu.memory_space<vmem>>, %arg12: memref<10000xf32, #tpu.memory_space<vmem>>, %arg13: memref<!tpu.dma_semaphore, #tpu.memory_space<semaphore_mem>>) attributes {dimension_semantics = [#tpu.dimension_semantics<core_parallel>, #tpu.dimension_semantics<subcore_parallel>], iteration_bounds = array<i64: 2, 16>, scalar_prefetch = 0 : i64, scratch_operands = 7 : i64, tpu.core_type = #tpu.core_type<sc_vector_subcore>, window_params = [{transform_indices = #map}, {transform_indices = #map}, {transform_indices = #map}, {transform_indices = #map}, {transform_indices = #map}]} {
    %mul3A = arith.constant 2 : i32
    %mul3A_0 = arith.muli %arg1, %mul3A : i32
    %add3A = arith.addi %mul3A_0, %arg0 : i32
    %mul3A_1 = arith.constant 9984 : i32
    %mul3A_2 = arith.muli %add3A, %mul3A_1 : i32
    %dma_start3A = arith.constant 0 : i32
    %dma_start3A_3 = tpu.memref_slice %arg2[%dma_start3A, %mul3A_2] : memref<2x320000xi32, #tpu.memory_space<hbm>> -> memref<2x9984xi32, #tpu.memory_space<hbm>>
    %dma_start3A_4 = arith.constant 0 : i32
    %dma_start3A_5 = tpu.memref_slice %arg2[%dma_start3A_4, %mul3A_2] : memref<2x320000xi32, #tpu.memory_space<hbm>> -> memref<2x9984xi32, #tpu.memory_space<hbm>>
    tpu.enqueue_dma source(%dma_start3A_5 : memref<2x9984xi32, #tpu.memory_space<hbm>>) target(%arg7 : memref<2x9984xi32, #tpu.memory_space<vmem>>) target_semaphore(%arg13 : memref<!tpu.dma_semaphore, #tpu.memory_space<semaphore_mem>>)
    %dma_start3A_6 = arith.constant 0 : i32
    %dma_start3A_7 = arith.constant 0 : i32
    %dma_start3A_8 = tpu.memref_slice %arg3[%dma_start3A_6, %dma_start3A_7] : memref<2x10000xf32, #tpu.memory_space<hbm>> -> memref<1x10000xf32, #tpu.memory_space<hbm>>
    %dma_start3A_9 = tpu.memref_squeeze %dma_start3A_8 : memref<1x10000xf32, #tpu.memory_space<hbm>> -> memref<10000xf32, #tpu.memory_space<hbm>>
    %dma_start3A_10 = arith.constant 0 : i32
    %dma_start3A_11 = tpu.memref_slice %arg3[%dma_start3A_6, %dma_start3A_10] : memref<2x10000xf32, #tpu.memory_space<hbm>> -> memref<1x10000xf32, #tpu.memory_space<hbm>>
    %dma_start3A_12 = tpu.memref_squeeze %dma_start3A_11 : memref<1x10000xf32, #tpu.memory_space<hbm>> -> memref<10000xf32, #tpu.memory_space<hbm>>
    tpu.enqueue_dma source(%dma_start3A_12 : memref<10000xf32, #tpu.memory_space<hbm>>) target(%arg9 : memref<10000xf32, #tpu.memory_space<vmem>>) target_semaphore(%arg13 : memref<!tpu.dma_semaphore, #tpu.memory_space<semaphore_mem>>)
    tpu.enqueue_dma source(%arg4 : memref<2x16xf32, #tpu.memory_space<hbm>>) target(%arg10 : memref<2x16xf32, #tpu.memory_space<vmem>>) target_semaphore(%arg13 : memref<!tpu.dma_semaphore, #tpu.memory_space<semaphore_mem>>)
    %eq3A = arith.constant 31 : i32
    %eq3A_13 = arith.cmpi eq, %add3A, %eq3A : i32
    %convert_element_type3A = arith.extui %eq3A_13 : i1 to i32
    %cond3A = arith.constant 0 : i32
    %cond3A_14 = arith.cmpi ne, %convert_element_type3A, %cond3A : i32
    scf.if %cond3A_14 {
      %dma_start3A_68 = arith.constant 0 : i32
      %dma_start3A_69 = arith.constant 319488 : i32
      %dma_start3A_70 = tpu.memref_slice %arg2[%dma_start3A_68, %dma_start3A_69] : memref<2x320000xi32, #tpu.memory_space<hbm>> -> memref<2x512xi32, #tpu.memory_space<hbm>>
      %dma_start3A_71 = arith.constant 0 : i32
      %dma_start3A_72 = arith.constant 319488 : i32
      %dma_start3A_73 = tpu.memref_slice %arg2[%dma_start3A_71, %dma_start3A_72] : memref<2x320000xi32, #tpu.memory_space<hbm>> -> memref<2x512xi32, #tpu.memory_space<hbm>>
      tpu.enqueue_dma source(%dma_start3A_73 : memref<2x512xi32, #tpu.memory_space<hbm>>) target(%arg8 : memref<2x512xi32, #tpu.memory_space<vmem>>) target_semaphore(%arg13 : memref<!tpu.dma_semaphore, #tpu.memory_space<semaphore_mem>>)
      %dma_wait3A_74 = arith.constant 0 : i32
      %dma_wait3A_75 = arith.constant 319488 : i32
      %dma_wait3A_76 = tpu.memref_slice %arg2[%dma_wait3A_74, %dma_wait3A_75] : memref<2x320000xi32, #tpu.memory_space<hbm>> -> memref<2x512xi32, #tpu.memory_space<hbm>>
      %dma_wait3A_77 = arith.constant 0 : i32
      %dma_wait3A_78 = arith.constant 319488 : i32
      %dma_wait3A_79 = tpu.memref_slice %arg2[%dma_wait3A_77, %dma_wait3A_78] : memref<2x320000xi32, #tpu.memory_space<hbm>> -> memref<2x512xi32, #tpu.memory_space<hbm>>
      tpu.wait_dma2 semaphore(%arg13 : memref<!tpu.dma_semaphore, #tpu.memory_space<semaphore_mem>>) src(%dma_wait3A_79 : memref<2x512xi32, #tpu.memory_space<hbm>>) dst(%arg8 : memref<2x512xi32, #tpu.memory_space<vmem>>)
    } else {
    }
    %broadcast_in_dim3A = arith.constant 0.000000e+00 : f32
    %broadcast_in_dim3A_15 = vector.broadcast %broadcast_in_dim3A : f32 to vector<16xf32>
    %scan3A = arith.constant 0 : i32
    %scan3A_16 = arith.constant 125 : i32
    %scan3A_17 = arith.addi %scan3A, %scan3A_16 : i32
    %scan3A_18 = arith.constant 1 : i32
    scf.for %scan3A_68 = %scan3A to %scan3A_17 step %scan3A_18  : i32 {
      %mul3A_69 = arith.constant 80 : i32
      %mul3A_70 = arith.muli %scan3A_68, %mul3A_69 : i32
      %add3A_71 = arith.constant 0 : i32
      %add3A_72 = arith.addi %add3A_71, %mul3A_70 : i32
      %add3A_73 = arith.constant 0 : i32
      %add3A_74 = arith.addi %add3A_72, %add3A_73 : i32
      %swap3A = arith.index_cast %add3A_74 : i32 to index
      %swap3A_75 = tpu.vector_load %arg11[%swap3A] {strides = array<i32>} : memref<10000xf32, #tpu.memory_space<vmem>>, vector<16xf32>,
      tpu.vector_store %arg11[%swap3A], %broadcast_in_dim3A_15 {strides = array<i32>} : memref<10000xf32, #tpu.memory_space<vmem>>, vector<16xf32>,
      %add3A_76 = arith.constant 0 : i32
      %add3A_77 = arith.addi %add3A_72, %add3A_76 : i32
      %swap3A_78 = arith.index_cast %add3A_77 : i32 to index
      %swap3A_79 = tpu.vector_load %arg12[%swap3A_78] {strides = array<i32>} : memref<10000xf32, #tpu.memory_space<vmem>>, vector<16xf32>,
      tpu.vector_store %arg12[%swap3A_78], %broadcast_in_dim3A_15 {strides = array<i32>} : memref<10000xf32, #tpu.memory_space<vmem>>, vector<16xf32>,
      %add3A_80 = arith.constant 16 : i32
      %add3A_81 = arith.addi %add3A_72, %add3A_80 : i32
      %swap3A_82 = arith.index_cast %add3A_81 : i32 to index
      %swap3A_83 = tpu.vector_load %arg11[%swap3A_82] {strides = array<i32>} : memref<10000xf32, #tpu.memory_space<vmem>>, vector<16xf32>,
      tpu.vector_store %arg11[%swap3A_82], %broadcast_in_dim3A_15 {strides = array<i32>} : memref<10000xf32, #tpu.memory_space<vmem>>, vector<16xf32>,
      %add3A_84 = arith.constant 16 : i32
      %add3A_85 = arith.addi %add3A_72, %add3A_84 : i32
      %swap3A_86 = arith.index_cast %add3A_85 : i32 to index
      %swap3A_87 = tpu.vector_load %arg12[%swap3A_86] {strides = array<i32>} : memref<10000xf32, #tpu.memory_space<vmem>>, vector<16xf32>,
      tpu.vector_store %arg12[%swap3A_86], %broadcast_in_dim3A_15 {strides = array<i32>} : memref<10000xf32, #tpu.memory_space<vmem>>, vector<16xf32>,
      %add3A_88 = arith.constant 32 : i32
      %add3A_89 = arith.addi %add3A_72, %add3A_88 : i32
      %swap3A_90 = arith.index_cast %add3A_89 : i32 to index
      %swap3A_91 = tpu.vector_load %arg11[%swap3A_90] {strides = array<i32>} : memref<10000xf32, #tpu.memory_space<vmem>>, vector<16xf32>,
      tpu.vector_store %arg11[%swap3A_90], %broadcast_in_dim3A_15 {strides = array<i32>} : memref<10000xf32, #tpu.memory_space<vmem>>, vector<16xf32>,
      %add3A_92 = arith.constant 32 : i32
      %add3A_93 = arith.addi %add3A_72, %add3A_92 : i32
      %swap3A_94 = arith.index_cast %add3A_93 : i32 to index
      %swap3A_95 = tpu.vector_load %arg12[%swap3A_94] {strides = array<i32>} : memref<10000xf32, #tpu.memory_space<vmem>>, vector<16xf32>,
      tpu.vector_store %arg12[%swap3A_94], %broadcast_in_dim3A_15 {strides = array<i32>} : memref<10000xf32, #tpu.memory_space<vmem>>, vector<16xf32>,
      %add3A_96 = arith.constant 48 : i32
      %add3A_97 = arith.addi %add3A_72, %add3A_96 : i32
      %swap3A_98 = arith.index_cast %add3A_97 : i32 to index
      %swap3A_99 = tpu.vector_load %arg11[%swap3A_98] {strides = array<i32>} : memref<10000xf32, #tpu.memory_space<vmem>>, vector<16xf32>,
      tpu.vector_store %arg11[%swap3A_98], %broadcast_in_dim3A_15 {strides = array<i32>} : memref<10000xf32, #tpu.memory_space<vmem>>, vector<16xf32>,
      %add3A_100 = arith.constant 48 : i32
      %add3A_101 = arith.addi %add3A_72, %add3A_100 : i32
      %swap3A_102 = arith.index_cast %add3A_101 : i32 to index
      %swap3A_103 = tpu.vector_load %arg12[%swap3A_102] {strides = array<i32>} : memref<10000xf32, #tpu.memory_space<vmem>>, vector<16xf32>,
      tpu.vector_store %arg12[%swap3A_102], %broadcast_in_dim3A_15 {strides = array<i32>} : memref<10000xf32, #tpu.memory_space<vmem>>, vector<16xf32>,
      %add3A_104 = arith.constant 64 : i32
      %add3A_105 = arith.addi %add3A_72, %add3A_104 : i32
      %swap3A_106 = arith.index_cast %add3A_105 : i32 to index
      %swap3A_107 = tpu.vector_load %arg11[%swap3A_106] {strides = array<i32>} : memref<10000xf32, #tpu.memory_space<vmem>>, vector<16xf32>,
      tpu.vector_store %arg11[%swap3A_106], %broadcast_in_dim3A_15 {strides = array<i32>} : memref<10000xf32, #tpu.memory_space<vmem>>, vector<16xf32>,
      %add3A_108 = arith.constant 64 : i32
      %add3A_109 = arith.addi %add3A_72, %add3A_108 : i32
      %swap3A_110 = arith.index_cast %add3A_109 : i32 to index
      %swap3A_111 = tpu.vector_load %arg12[%swap3A_110] {strides = array<i32>} : memref<10000xf32, #tpu.memory_space<vmem>>, vector<16xf32>,
      tpu.vector_store %arg12[%swap3A_110], %broadcast_in_dim3A_15 {strides = array<i32>} : memref<10000xf32, #tpu.memory_space<vmem>>, vector<16xf32>,
    }
    %scan3A_19 = arith.constant 125 : i32
    %dma_wait3A = arith.constant 0 : i32
    %dma_wait3A_20 = tpu.memref_slice %arg2[%dma_wait3A, %mul3A_2] : memref<2x320000xi32, #tpu.memory_space<hbm>> -> memref<2x9984xi32, #tpu.memory_space<hbm>>
    %dma_wait3A_21 = arith.constant 0 : i32
    %dma_wait3A_22 = tpu.memref_slice %arg2[%dma_wait3A_21, %mul3A_2] : memref<2x320000xi32, #tpu.memory_space<hbm>> -> memref<2x9984xi32, #tpu.memory_space<hbm>>
    tpu.wait_dma2 semaphore(%arg13 : memref<!tpu.dma_semaphore, #tpu.memory_space<semaphore_mem>>) src(%dma_wait3A_22 : memref<2x9984xi32, #tpu.memory_space<hbm>>) dst(%arg7 : memref<2x9984xi32, #tpu.memory_space<vmem>>)
    %dma_wait3A_23 = arith.constant 0 : i32
    %dma_wait3A_24 = arith.constant 0 : i32
    %dma_wait3A_25 = tpu.memref_slice %arg3[%dma_wait3A_23, %dma_wait3A_24] : memref<2x10000xf32, #tpu.memory_space<hbm>> -> memref<1x10000xf32, #tpu.memory_space<hbm>>
    %dma_wait3A_26 = tpu.memref_squeeze %dma_wait3A_25 : memref<1x10000xf32, #tpu.memory_space<hbm>> -> memref<10000xf32, #tpu.memory_space<hbm>>
    %dma_wait3A_27 = arith.constant 0 : i32
    %dma_wait3A_28 = tpu.memref_slice %arg3[%dma_wait3A_23, %dma_wait3A_27] : memref<2x10000xf32, #tpu.memory_space<hbm>> -> memref<1x10000xf32, #tpu.memory_space<hbm>>
    %dma_wait3A_29 = tpu.memref_squeeze %dma_wait3A_28 : memref<1x10000xf32, #tpu.memory_space<hbm>> -> memref<10000xf32, #tpu.memory_space<hbm>>
    tpu.wait_dma2 semaphore(%arg13 : memref<!tpu.dma_semaphore, #tpu.memory_space<semaphore_mem>>) src(%dma_wait3A_29 : memref<10000xf32, #tpu.memory_space<hbm>>) dst(%arg9 : memref<10000xf32, #tpu.memory_space<vmem>>)
    tpu.wait_dma2 semaphore(%arg13 : memref<!tpu.dma_semaphore, #tpu.memory_space<semaphore_mem>>) src(%arg4 : memref<2x16xf32, #tpu.memory_space<hbm>>) dst(%arg10 : memref<2x16xf32, #tpu.memory_space<vmem>>)
    %get3A = arith.constant 0 : i32
    %get3A_30 = arith.index_cast %get3A : i32 to index
    %get3A_31 = arith.constant 0 : index
    %get3A_32 = tpu.vector_load %arg10[%get3A_30, %get3A_31] {strides = array<i32>} : memref<2x16xf32, #tpu.memory_space<vmem>>, vector<16xf32>,
    %get3A_33 = arith.constant 1 : i32
    %get3A_34 = arith.index_cast %get3A_33 : i32 to index
    %get3A_35 = arith.constant 0 : index
    %get3A_36 = tpu.vector_load %arg10[%get3A_34, %get3A_35] {strides = array<i32>} : memref<2x16xf32, #tpu.memory_space<vmem>>, vector<16xf32>,
    %parallel_loop3A = arith.constant 0 : i32
    %parallel_loop3A_37 = arith.constant 9984 : i32
    %parallel_loop3A_38 = arith.constant 16 : i32
    scf.for %parallel_loop3A_68 = %parallel_loop3A to %parallel_loop3A_37 step %parallel_loop3A_38  : i32 {
      %parallel_loop3A_69 = arith.constant 0 : i32
      %parallel_loop3A_70 = arith.index_cast %parallel_loop3A_69 : i32 to index
      %parallel_loop3A_71 = arith.index_cast %parallel_loop3A_68 : i32 to index
      %parallel_loop3A_72 = tpu.vector_load %arg7[%parallel_loop3A_70, %parallel_loop3A_71] {strides = array<i32>} : memref<2x9984xi32, #tpu.memory_space<vmem>>, vector<16xi32>,
      %parallel_loop3A_73 = arith.constant 1 : i32
      %parallel_loop3A_74 = arith.index_cast %parallel_loop3A_73 : i32 to index
      %parallel_loop3A_75 = arith.index_cast %parallel_loop3A_68 : i32 to index
      %parallel_loop3A_76 = tpu.vector_load %arg7[%parallel_loop3A_74, %parallel_loop3A_75] {strides = array<i32>} : memref<2x9984xi32, #tpu.memory_space<vmem>>, vector<16xi32>,
      %parallel_loop3A_77 = tpu.vector_load_idx %arg9[%parallel_loop3A_72] : memref<10000xf32, #tpu.memory_space<vmem>>[vector<16xi32>], vector<16xf32>,
      %parallel_loop3A_78 = tpu.vector_load_idx %arg9[%parallel_loop3A_76] : memref<10000xf32, #tpu.memory_space<vmem>>[vector<16xi32>], vector<16xf32>,
      %parallel_loop3A_79 = arith.mulf %parallel_loop3A_77, %get3A_32 : vector<16xf32>
      %parallel_loop3A_80 = arith.mulf %parallel_loop3A_78, %get3A_36 : vector<16xf32>
      %parallel_loop3A_81 = arith.addf %parallel_loop3A_79, %parallel_loop3A_80 : vector<16xf32>
      %parallel_loop3A_82 = arith.constant 0.000000e+00 : f32
      %parallel_loop3A_83 = vector.broadcast %parallel_loop3A_82 : f32 to vector<16xf32>
      %parallel_loop3A_84 = arith.cmpf oge, %parallel_loop3A_81, %parallel_loop3A_83 : vector<16xf32>
      %parallel_loop3A_85 = arith.constant 2.000000e-01 : f32
      %parallel_loop3A_86 = vector.broadcast %parallel_loop3A_85 : f32 to vector<16xf32>
      %parallel_loop3A_87 = arith.mulf %parallel_loop3A_81, %parallel_loop3A_86 : vector<16xf32>
      %parallel_loop3A_88 = arith.select %parallel_loop3A_84, %parallel_loop3A_81, %parallel_loop3A_87 : vector<16xi1>, vector<16xf32>
      %parallel_loop3A_89 = math.exp %parallel_loop3A_88 : vector<16xf32>
      tpu.vector_store_idx %arg12[%parallel_loop3A_76], %parallel_loop3A_89 {add = true} : memref<10000xf32, #tpu.memory_space<vmem>>[vector<16xi32>], vector<16xf32>,
      %parallel_loop3A_90 = arith.mulf %parallel_loop3A_77, %parallel_loop3A_89 : vector<16xf32>
      tpu.vector_store_idx %arg11[%parallel_loop3A_76], %parallel_loop3A_90 {add = true} : memref<10000xf32, #tpu.memory_space<vmem>>[vector<16xi32>], vector<16xf32>,
    } {sc.loop_unroll_factor = 8 : i64, sc.parallel_access}
    %eq3A_39 = arith.constant 31 : i32
    %eq3A_40 = arith.cmpi eq, %add3A, %eq3A_39 : i32
    %convert_element_type3A_41 = arith.extui %eq3A_40 : i1 to i32
    %cond3A_42 = arith.constant 0 : i32
    %cond3A_43 = arith.cmpi ne, %convert_element_type3A_41, %cond3A_42 : i32
    scf.if %cond3A_43 {
      %parallel_loop3A_68 = arith.constant 0 : i32
      %parallel_loop3A_69 = arith.constant 512 : i32
      %parallel_loop3A_70 = arith.constant 16 : i32
      scf.for %parallel_loop3A_71 = %parallel_loop3A_68 to %parallel_loop3A_69 step %parallel_loop3A_70  : i32 {
        %parallel_loop3A_72 = arith.constant 0 : i32
        %parallel_loop3A_73 = arith.index_cast %parallel_loop3A_72 : i32 to index
        %parallel_loop3A_74 = arith.index_cast %parallel_loop3A_71 : i32 to index
        %parallel_loop3A_75 = tpu.vector_load %arg8[%parallel_loop3A_73, %parallel_loop3A_74] {strides = array<i32>} : memref<2x512xi32, #tpu.memory_space<vmem>>, vector<16xi32>,
        %parallel_loop3A_76 = arith.constant 1 : i32
        %parallel_loop3A_77 = arith.index_cast %parallel_loop3A_76 : i32 to index
        %parallel_loop3A_78 = arith.index_cast %parallel_loop3A_71 : i32 to index
        %parallel_loop3A_79 = tpu.vector_load %arg8[%parallel_loop3A_77, %parallel_loop3A_78] {strides = array<i32>} : memref<2x512xi32, #tpu.memory_space<vmem>>, vector<16xi32>,
        %parallel_loop3A_80 = tpu.vector_load_idx %arg9[%parallel_loop3A_75] : memref<10000xf32, #tpu.memory_space<vmem>>[vector<16xi32>], vector<16xf32>,
        %parallel_loop3A_81 = tpu.vector_load_idx %arg9[%parallel_loop3A_79] : memref<10000xf32, #tpu.memory_space<vmem>>[vector<16xi32>], vector<16xf32>,
        %parallel_loop3A_82 = arith.mulf %parallel_loop3A_80, %get3A_32 : vector<16xf32>
        %parallel_loop3A_83 = arith.mulf %parallel_loop3A_81, %get3A_36 : vector<16xf32>
        %parallel_loop3A_84 = arith.addf %parallel_loop3A_82, %parallel_loop3A_83 : vector<16xf32>
        %parallel_loop3A_85 = arith.constant 0.000000e+00 : f32
        %parallel_loop3A_86 = vector.broadcast %parallel_loop3A_85 : f32 to vector<16xf32>
        %parallel_loop3A_87 = arith.cmpf oge, %parallel_loop3A_84, %parallel_loop3A_86 : vector<16xf32>
        %parallel_loop3A_88 = arith.constant 2.000000e-01 : f32
        %parallel_loop3A_89 = vector.broadcast %parallel_loop3A_88 : f32 to vector<16xf32>
        %parallel_loop3A_90 = arith.mulf %parallel_loop3A_84, %parallel_loop3A_89 : vector<16xf32>
        %parallel_loop3A_91 = arith.select %parallel_loop3A_87, %parallel_loop3A_84, %parallel_loop3A_90 : vector<16xi1>, vector<16xf32>
        %parallel_loop3A_92 = math.exp %parallel_loop3A_91 : vector<16xf32>
        tpu.vector_store_idx %arg12[%parallel_loop3A_79], %parallel_loop3A_92 {add = true} : memref<10000xf32, #tpu.memory_space<vmem>>[vector<16xi32>], vector<16xf32>,
        %parallel_loop3A_93 = arith.mulf %parallel_loop3A_80, %parallel_loop3A_92 : vector<16xf32>
        tpu.vector_store_idx %arg11[%parallel_loop3A_79], %parallel_loop3A_93 {add = true} : memref<10000xf32, #tpu.memory_space<vmem>>[vector<16xi32>], vector<16xf32>,
      } {sc.loop_unroll_factor = 8 : i64, sc.parallel_access}
    } else {
    }
    %dma_start3A_44 = arith.constant 0 : i32
    %dma_start3A_45 = tpu.memref_slice %arg5[%add3A, %dma_start3A_44] : memref<32x10000xf32, #tpu.memory_space<hbm>> -> memref<1x10000xf32, #tpu.memory_space<hbm>>
    %dma_start3A_46 = tpu.memref_squeeze %dma_start3A_45 : memref<1x10000xf32, #tpu.memory_space<hbm>> -> memref<10000xf32, #tpu.memory_space<hbm>>
    %dma_start3A_47 = arith.constant 0 : i32
    %dma_start3A_48 = tpu.memref_slice %arg5[%add3A, %dma_start3A_47] : memref<32x10000xf32, #tpu.memory_space<hbm>> -> memref<1x10000xf32, #tpu.memory_space<hbm>>
    %dma_start3A_49 = tpu.memref_squeeze %dma_start3A_48 : memref<1x10000xf32, #tpu.memory_space<hbm>> -> memref<10000xf32, #tpu.memory_space<hbm>>
    tpu.enqueue_dma source(%arg11 : memref<10000xf32, #tpu.memory_space<vmem>>) target(%dma_start3A_49 : memref<10000xf32, #tpu.memory_space<hbm>>) target_semaphore(%arg13 : memref<!tpu.dma_semaphore, #tpu.memory_space<semaphore_mem>>)
    %dma_wait3A_50 = arith.constant 0 : i32
    %dma_wait3A_51 = tpu.memref_slice %arg5[%add3A, %dma_wait3A_50] : memref<32x10000xf32, #tpu.memory_space<hbm>> -> memref<1x10000xf32, #tpu.memory_space<hbm>>
    %dma_wait3A_52 = tpu.memref_squeeze %dma_wait3A_51 : memref<1x10000xf32, #tpu.memory_space<hbm>> -> memref<10000xf32, #tpu.memory_space<hbm>>
    %dma_wait3A_53 = arith.constant 0 : i32
    %dma_wait3A_54 = tpu.memref_slice %arg5[%add3A, %dma_wait3A_53] : memref<32x10000xf32, #tpu.memory_space<hbm>> -> memref<1x10000xf32, #tpu.memory_space<hbm>>
    %dma_wait3A_55 = tpu.memref_squeeze %dma_wait3A_54 : memref<1x10000xf32, #tpu.memory_space<hbm>> -> memref<10000xf32, #tpu.memory_space<hbm>>
    tpu.wait_dma2 semaphore(%arg13 : memref<!tpu.dma_semaphore, #tpu.memory_space<semaphore_mem>>) src(%arg11 : memref<10000xf32, #tpu.memory_space<vmem>>) dst(%dma_wait3A_55 : memref<10000xf32, #tpu.memory_space<hbm>>)
    %dma_start3A_56 = arith.constant 0 : i32
    %dma_start3A_57 = tpu.memref_slice %arg6[%add3A, %dma_start3A_56] : memref<32x10000xf32, #tpu.memory_space<hbm>> -> memref<1x10000xf32, #tpu.memory_space<hbm>>
    %dma_start3A_58 = tpu.memref_squeeze %dma_start3A_57 : memref<1x10000xf32, #tpu.memory_space<hbm>> -> memref<10000xf32, #tpu.memory_space<hbm>>
    %dma_start3A_59 = arith.constant 0 : i32
    %dma_start3A_60 = tpu.memref_slice %arg6[%add3A, %dma_start3A_59] : memref<32x10000xf32, #tpu.memory_space<hbm>> -> memref<1x10000xf32, #tpu.memory_space<hbm>>
    %dma_start3A_61 = tpu.memref_squeeze %dma_start3A_60 : memref<1x10000xf32, #tpu.memory_space<hbm>> -> memref<10000xf32, #tpu.memory_space<hbm>>
    tpu.enqueue_dma source(%arg12 : memref<10000xf32, #tpu.memory_space<vmem>>) target(%dma_start3A_61 : memref<10000xf32, #tpu.memory_space<hbm>>) target_semaphore(%arg13 : memref<!tpu.dma_semaphore, #tpu.memory_space<semaphore_mem>>)
    %dma_wait3A_62 = arith.constant 0 : i32
    %dma_wait3A_63 = tpu.memref_slice %arg6[%add3A, %dma_wait3A_62] : memref<32x10000xf32, #tpu.memory_space<hbm>> -> memref<1x10000xf32, #tpu.memory_space<hbm>>
    %dma_wait3A_64 = tpu.memref_squeeze %dma_wait3A_63 : memref<1x10000xf32, #tpu.memory_space<hbm>> -> memref<10000xf32, #tpu.memory_space<hbm>>
    %dma_wait3A_65 = arith.constant 0 : i32
    %dma_wait3A_66 = tpu.memref_slice %arg6[%add3A, %dma_wait3A_65] : memref<32x10000xf32, #tpu.memory_space<hbm>> -> memref<1x10000xf32, #tpu.memory_space<hbm>>
    %dma_wait3A_67 = tpu.memref_squeeze %dma_wait3A_66 : memref<1x10000xf32, #tpu.memory_space<hbm>> -> memref<10000xf32, #tpu.memory_space<hbm>>
    tpu.wait_dma2 semaphore(%arg13 : memref<!tpu.dma_semaphore, #tpu.memory_space<semaphore_mem>>) src(%arg12 : memref<10000xf32, #tpu.memory_space<vmem>>) dst(%dma_wait3A_67 : memref<10000xf32, #tpu.memory_space<hbm>>)
    return
  }
}

module attributes {stable_mosaic.version = 14 : i64} {
  func.func @_proj_body(%arg0: memref<10000x128xf32, #tpu.memory_space<vmem>>, %arg1: memref<2x128xf32, #tpu.memory_space<vmem>>, %arg2: memref<2x10000xf32, #tpu.memory_space<vmem>>) attributes {dimension_semantics = [], scalar_prefetch = 0 : i64, scratch_operands = 0 : i64, tpu.core_type = #tpu.core_type<tc>} {
    %get3A = arith.constant 0 : index
    %get3A_0 = arith.constant 0 : index
    %get3A_1 = vector.load %arg1[%get3A, %get3A_0] : memref<2x128xf32, #tpu.memory_space<vmem>>, vector<2x128xf32>
    %get3A_2 = arith.constant 0 : index
    %get3A_3 = arith.constant 0 : index
    %get3A_4 = vector.load %arg0[%get3A_2, %get3A_3] : memref<10000x128xf32, #tpu.memory_space<vmem>>, vector<10000x128xf32>
    %dot_general3A = arith.constant dense<0.000000e+00> : vector<2x10000xf32>
    %dot_general3A_5 = tpu.matmul %get3A_1, %get3A_4, %dot_general3A {dimension_numbers = #tpu.dot_dimension_numbers<[1], [1], [0], [0], [0, 0, 1, 0], [], []>, transpose_lhs_hint = false} : vector<2x128xf32>, vector<10000x128xf32>, vector<2x10000xf32> -> vector<2x10000xf32>
    %slice3A = vector.extract_strided_slice %dot_general3A_5 {offsets = [0, 0], sizes = [1, 10000], strides = [1, 1]} : vector<2x10000xf32> to vector<1x10000xf32>
    %squeeze3A = vector.shape_cast %slice3A : vector<1x10000xf32> to vector<10000xf32>
    %slice3A_6 = vector.extract_strided_slice %dot_general3A_5 {offsets = [1, 0], sizes = [1, 10000], strides = [1, 1]} : vector<2x10000xf32> to vector<1x10000xf32>
    %squeeze3A_7 = vector.shape_cast %slice3A_6 : vector<1x10000xf32> to vector<10000xf32>
    %ge3A = arith.constant 0.000000e+00 : f32
    %ge3A_8 = vector.broadcast %ge3A : f32 to vector<10000xf32>
    %ge3A_9 = arith.cmpf oge, %squeeze3A_7, %ge3A_8 : vector<10000xf32>
    %mul3A = arith.constant 2.000000e-01 : f32
    %mul3A_10 = vector.broadcast %mul3A : f32 to vector<10000xf32>
    %mul3A_11 = arith.mulf %squeeze3A_7, %mul3A_10 : vector<10000xf32>
    %select_n3A = arith.select %ge3A_9, %squeeze3A_7, %mul3A_11 : vector<10000xi1>, vector<10000xf32>
    %exp3A = math.exp %select_n3A : vector<10000xf32>
    %swap3A = arith.constant 0 : index
    %swap3A_12 = arith.constant 0 : index
    %swap3A_13 = vector.load %arg2[%swap3A, %swap3A_12] : memref<2x10000xf32, #tpu.memory_space<vmem>>, vector<1x10000xf32>
    %swap3A_14 = vector.shape_cast %swap3A_13 : vector<1x10000xf32> to vector<10000xf32>
    %swap3A_15 = vector.shape_cast %squeeze3A : vector<10000xf32> to vector<1x10000xf32>
    tpu.vector_store %arg2[%swap3A, %swap3A_12], %swap3A_15 {strides = array<i32>} : memref<2x10000xf32, #tpu.memory_space<vmem>>, vector<1x10000xf32>,
    %swap3A_16 = arith.constant 1 : index
    %swap3A_17 = arith.constant 0 : index
    %swap3A_18 = vector.load %arg2[%swap3A_16, %swap3A_17] : memref<2x10000xf32, #tpu.memory_space<vmem>>, vector<1x10000xf32>
    %swap3A_19 = vector.shape_cast %swap3A_18 : vector<1x10000xf32> to vector<10000xf32>
    %swap3A_20 = vector.shape_cast %exp3A : vector<10000xf32> to vector<1x10000xf32>
    tpu.vector_store %arg2[%swap3A_16, %swap3A_17], %swap3A_20 {strides = array<i32>} : memref<2x10000xf32, #tpu.memory_space<vmem>>, vector<1x10000xf32>,
    return
  }
}

module attributes {stable_mosaic.version = 14 : i64} {
  func.func @_final_body(%arg0: memref<2x10000xf32, #tpu.memory_space<vmem>>, %arg1: memref<32x10000xf32, #tpu.memory_space<vmem>>, %arg2: memref<32x10000xf32, #tpu.memory_space<vmem>>, %arg3: memref<1xf32, #tpu.memory_space<smem>>, %arg4: memref<10000xf32, #tpu.memory_space<vmem>>) attributes {dimension_semantics = [], scalar_prefetch = 0 : i64, scratch_operands = 0 : i64, tpu.core_type = #tpu.core_type<tc>} {
    %get3A = arith.constant 0 : index
    %get3A_0 = arith.constant 0 : index
    %get3A_1 = vector.load %arg0[%get3A, %get3A_0] : memref<2x10000xf32, #tpu.memory_space<vmem>>, vector<1x10000xf32>
    %get3A_2 = vector.shape_cast %get3A_1 : vector<1x10000xf32> to vector<10000xf32>
    %get3A_3 = arith.constant 1 : index
    %get3A_4 = arith.constant 0 : index
    %get3A_5 = vector.load %arg0[%get3A_3, %get3A_4] : memref<2x10000xf32, #tpu.memory_space<vmem>>, vector<1x10000xf32>
    %get3A_6 = vector.shape_cast %get3A_5 : vector<1x10000xf32> to vector<10000xf32>
    %get3A_7 = arith.constant 0 : index
    %get3A_8 = arith.constant 0 : index
    %get3A_9 = vector.load %arg1[%get3A_7, %get3A_8] : memref<32x10000xf32, #tpu.memory_space<vmem>>, vector<32x10000xf32>
    %reduce_sum3A = arith.constant dense<0.000000e+00> : vector<10000xf32>
    %reduce_sum3A_10 = vector.multi_reduction <add>, %get3A_9, %reduce_sum3A [0] : vector<32x10000xf32> to vector<10000xf32>
    %mul3A = arith.mulf %get3A_2, %get3A_6 : vector<10000xf32>
    %add3A = arith.addf %reduce_sum3A_10, %mul3A : vector<10000xf32>
    %get3A_11 = arith.constant 0 : index
    %get3A_12 = arith.constant 0 : index
    %get3A_13 = vector.load %arg2[%get3A_11, %get3A_12] : memref<32x10000xf32, #tpu.memory_space<vmem>>, vector<32x10000xf32>
    %reduce_sum3A_14 = arith.constant dense<0.000000e+00> : vector<10000xf32>
    %reduce_sum3A_15 = vector.multi_reduction <add>, %get3A_13, %reduce_sum3A_14 [0] : vector<32x10000xf32> to vector<10000xf32>
    %add3A_16 = arith.addf %reduce_sum3A_15, %get3A_6 : vector<10000xf32>
    %add3A_17 = arith.constant 1.000000e-16 : f32
    %add3A_18 = vector.broadcast %add3A_17 : f32 to vector<10000xf32>
    %add3A_19 = arith.addf %add3A_16, %add3A_18 : vector<10000xf32>
    %div3A = arith.divf %add3A, %add3A_19 : vector<10000xf32>
    %get3A_20 = arith.constant 0 : index
    %get3A_21 = memref.load %arg3[%get3A_20] : memref<1xf32, #tpu.memory_space<smem>>
    %add3A_22 = vector.broadcast %get3A_21 : f32 to vector<10000xf32>
    %add3A_23 = arith.addf %div3A, %add3A_22 : vector<10000xf32>
    %swap3A = arith.constant 0 : index
    %swap3A_24 = vector.load %arg4[%swap3A] : memref<10000xf32, #tpu.memory_space<vmem>>, vector<10000xf32>
    tpu.vector_store %arg4[%swap3A], %add3A_23 {strides = array<i32>} : memref<10000xf32, #tpu.memory_space<vmem>>, vector<10000xf32>,
    return
  }
}

</mosaic_0001>

<sc_bundles>
// kernel: kernel.5.cloned.1.call-start
scs
__scs_entry_jumppad:
0x0: {  	(pc) =	sbr.rel $0x88, $3  }
0x1: {  	(tag) =	ssettag $0x0;
	lr =	simm.s32 $0x1  }
0x2: {  	[smem:$0x3F9B] =	sst lr;
	_ =	strace $0xD0000000  }
0x3: {  	_ = 	snop  }
0x4: {  	_ = 	snop  }
0x5: {  	_ = 	snop  }
0x6: {  	_ = 	snop  }
0x7: {  	_ = 	snop  }
__scs_overlays_trampoline_lowered:
0x8: {  	[smem:$0x3FAA] =	sst s0  }
0x9: {  	[smem:$0x3FAB] =	sst s1  }
0xa: {  	[smem:$0x3FAC] =	sst s2  }
0xb: {  	[smem:$0x3FAD] =	sst s3  }
0xc: {  	[smem:$0x3FAE] =	sst s4  }
0xd: {  	[smem:$0x3FAF] =	sst s5  }
0xe: {  	[smem:$0x3FB0] =	sst s6  }
0xf: {  	[smem:$0x3FB1] =	sst s7  }
0x10: {  	[smem:$0x3FB2] =	sst s8  }
0x11: {  	[smem:$0x3FB3] =	sst s9;
	s0 =	simm.s32 @!p0 $0x0  }
0x12: {  	s1 =	sld [smem:$0x3F99];
	s0 =	simm.s32 @p0 $0x1  }
0x13: {  	[smem:$0x3FB4] =	sst s0;
	s0 =	simm.s32 @!p1 $0x0  }
0x14: {  	s2 =	sld [smem:$0x3F98];
	s0 =	simm.s32 @p1 $0x1  }
0x15: {  	[smem:$0x3FB5] =	sst s0;
	s0 =	simm.s32 @!p2 $0x0  }
0x16: {  	s3 =	sld [smem:$0x3FDB];
	s0 =	simm.s32 @p2 $0x1  }
0x17: {  	s4 =	simm.s32 $0x1BF5;
	[smem:$0x3FB7] =	sst s0  }
0x18: {  	s0 =	sld [smem:$0x3F9A];
	_ =	swait.ge [sflag:s4], $0x0  }
0x19: {  	s7 =	sld [smem:$0x3F9B]  }
0x1a: {  	s8 =	sadd.s32 $0xFFFFE003, lr  }
0x1b: {  	s9 =	sadd.s32 $0xFFFFFEF7, lr;
	s5 =	simm.s32 $0xFFFFFFFF;
	p2 =	slt.u32 s8, $0xFFFFF086  }
0x1c: {  	p1 =	slt.u32 s9, $0xF7A;
	s5 =	simm.s32 @!p2 $0x0  }
0x1d: {  	s5 =	simm.s32 @p1 $0x1;
	p0 =	seq.s32 s7, s2  }
0x1e: {  	s7 =	smul.u32 @!p0 $0xF7A, s2;
	p2 =	seq.s32 @!p0 s5, $0x0  }
0x1f: {  	s9 =	smul.u32 $0xF7A, s1;
	s8 =	simm.s32 @!p0 $0x1BF5;
	p2 =	por !p2, p0  }
0x20: {  	[sflag:s8] =	ssyncset.s32 @!p0 $0xFFFFF086;
	s6 =	sadd.s32 @!p0 s3, s7;
	s7 =	simm.s32 @!p0 $0x108  }
0x21: {  	s3 =	sadd.s32 s3, s9;
	s6 =	sadd.s32 @!p0 $0x88, s6;
	s7 =	simm.s32 @p2 $0x1082  }
0x22: {  	[simem:s7], [sflag:s8] =	dma.local @!p0 [hbm:s6], $0xF7A  }
0x23: {  	s9 =	sor.u32 $0xD0000000, s2;
	s6 =	simm.s32 $0x108;
	_ =	swait.ge @!p0 [sflag:s8], $0x0  }
0x24: {  	s3 =	sadd.s32 $0x88, s3;
	s6 =	simm.s32 @!p1 $0x1082;
	[sflag:s4] =	ssyncset.s32 $0xFFFFF086  }
0x25: {  	[simem:s6], [sflag:s4] =	dma.local [hbm:s3], $0xF7A  }
0x26: {  	[smem:$0x3F9B] =	sst s1;
	(tag) =	ssettag s2;
	_ =	strace s9  }
0x27: {  	s1 =	sld [smem:$0x3FAB]  }
0x28: {  	s2 =	sld [smem:$0x3FAC]  }
0x29: {  	s4 =	sld [smem:$0x3FAE]  }
0x2a: {  	p0 =	seq.s32 s5, $0x0;
	s5 =	sld [smem:$0x3FAF]  }
0x2b: {  	s6 =	sld [smem:$0x3FB0]  }
0x2c: {  	s7 =	sld [smem:$0x3FB1]  }
0x2d: {  	s3 =	simm.s32 $0x108;
	s8 =	sld [smem:$0x3FB2]  }
0x2e: {  	s3 =	simm.s32 @!p0 $0x1082;
	s9 =	sld [smem:$0x3FB3]  }
0x2f: {  	lr =	sadd.s32 s0, s3;
	s0 =	sld [smem:$0x3FAA]  }
0x30: {  	s3 =	sld [smem:$0x3FAD]  }
0x31: {  	[smem:$0x3FB6] =	sst s10  }
0x32: {  	s10 =	sld [smem:$0x3FB4];
	_ =	sdelay $0x3  }
0x33: {  	p0 =	seq.s32 s10, $0x1;
	s10 =	sld [smem:$0x3FB6];
	_ =	sdelay $0x3  }
0x34: {  	[smem:$0x3FB6] =	sst s10  }
0x35: {  	s10 =	sld [smem:$0x3FB5];
	_ =	sdelay $0x3  }
0x36: {  	p1 =	seq.s32 s10, $0x1;
	s10 =	sld [smem:$0x3FB6];
	_ =	sdelay $0x3  }
0x37: {  	[smem:$0x3FB6] =	sst s10  }
0x38: {  	s10 =	sld [smem:$0x3FB7]  }
0x39: {  	_ = 	snop;
	(pc) =	sbr.ind lr, $3  }
0x3a: {  	_ = 	snop  }
0x3b: {  	_ = 	snop  }
0x3c: {  	p2 =	seq.s32 s10, $0x1;
	s10 =	sld [smem:$0x3FB6]  }
0x3d: {  	_ =	shalt  }
0x3e: {  	_ =	shalt  }
0x3f: {  	_ =	shalt  }
0x40: {  	_ =	shalt  }
0x41: {  	_ =	shalt  }
0x42: {  	_ =	shalt  }
0x43: {  	_ =	shalt  }
0x44: {  	_ =	shalt  }
0x45: {  	_ =	shalt  }
0x46: {  	_ =	shalt  }
0x47: {  	_ =	shalt  }
0x48: {  	_ =	shalt  }
0x49: {  	_ =	shalt  }
0x4a: {  	_ =	shalt  }
0x4b: {  	_ =	shalt  }
0x4c: {  	_ =	shalt  }
0x4d: {  	_ =	shalt  }
0x4e: {  	_ =	shalt  }
0x4f: {  	_ =	shalt  }
0x50: {  	_ =	shalt  }
0x51: {  	_ =	shalt  }
0x52: {  	_ =	shalt  }
0x53: {  	_ =	shalt  }
0x54: {  	_ =	shalt  }
0x55: {  	_ =	shalt  }
0x56: {  	_ =	shalt  }
0x57: {  	_ =	shalt  }
0x58: {  	_ =	shalt  }
0x59: {  	_ =	shalt  }
0x5a: {  	_ =	shalt  }
0x5b: {  	_ =	shalt  }
0x5c: {  	_ =	shalt  }
0x5d: {  	_ =	shalt  }
0x5e: {  	_ =	shalt  }
0x5f: {  	_ =	shalt  }
0x60: {  	_ =	shalt  }
0x61: {  	_ =	shalt  }
0x62: {  	_ =	shalt  }
0x63: {  	_ =	shalt  }
0x64: {  	_ =	shalt  }
0x65: {  	_ =	shalt  }
0x66: {  	_ =	shalt  }
0x67: {  	_ =	shalt  }
0x68: {  	_ =	shalt  }
0x69: {  	_ =	shalt  }
0x6a: {  	_ =	shalt  }
0x6b: {  	_ =	shalt  }
0x6c: {  	_ =	shalt  }
0x6d: {  	_ =	shalt  }
0x6e: {  	_ =	shalt  }
0x6f: {  	_ =	shalt  }
0x70: {  	_ =	shalt  }
0x71: {  	_ =	shalt  }
0x72: {  	_ =	shalt  }
0x73: {  	_ =	shalt  }
0x74: {  	_ =	shalt  }
0x75: {  	_ =	shalt  }
0x76: {  	_ =	shalt  }
0x77: {  	_ =	shalt  }
0x78: {  	_ =	shalt  }
0x79: {  	_ =	shalt  }
0x7a: {  	_ =	shalt  }
0x7b: {  	_ =	shalt  }
0x7c: {  	_ =	shalt  }
0x7d: {  	_ =	shalt  }
0x7e: {  	_ =	shalt  }
0x7f: {  	_ =	shalt  }
0x80: {  	_ =	shalt  }
0x81: {  	_ =	shalt  }
0x82: {  	_ =	shalt  }
0x83: {  	_ =	shalt  }
0x84: {  	_ =	shalt  }
0x85: {  	_ =	shalt  }
0x86: {  	_ =	shalt  }
0x87: {  	_ =	shalt  }
.Lfunc_end0:
.L_simem_size_0:
called_computation_lowered:
.L_overlay_start_0:
0x88: {  	s2 =	sld [smem:$0x3FD9]  }
0x89: {  	s3 =	sld [smem:$0x3FFE];
	_ =	sdelay $0x1  }
0x8a: {  	s1 =	srdreg.scid  }
0x8b: {  	s0 =	sand.u32 $0x1, s1  }
0x8c: {  	s17 =	sshll.u32 s0, $0xA;
	s2 =	sadd.s32 s3, s2  }
0x8d: {  	s2 =	sadd.s32 s2, s17  }
0x8e: {  	[smem:$0x3FC2] =	sst s2  }
0x8f: {  	_ = 	snop  }
0x90: {  	s2 =	sld [smem:$0x3FC8]  }
0x91: {  	s18 =	sld [smem:$0x3FD0];
	(tm) =	ssettm $0x1  }
0x92: {  	s4 =	sld [smem:$0x3FFB];
	_ =	sdelay $0x3  }
0x93: {  	_ =	strace s4  }
0x94: {  	s4 =	sld [smem:$0x3FFC];
	_ =	sdelay $0x3  }
0x95: {  	_ =	strace s4  }
0x96: {  	s4 =	sld [smem:$0x3FFD];
	_ =	sdelay $0x3  }
0x97: {  	_ =	strace s4  }
0x98: {  	_ =	strace $0x8FFFFFFF  }
0x99: {  	s19 =	sld [smem:$0x3FDB];
	_ =	sdelay $0x1  }
0x9a: {  	s5 =	simm.s32 $_scs_section_size  }
0x9b: {  	s6 =	simm.s32 $_size__tile_overlayer_lowered;
	s7 =	simm.s32 $_tile_overlayer_lowered  }
0x9c: {  	s22 =	simm.s32 $0x1BFF;
	s21 =	sshll.u32 s7, $0x1;
	s4 =	sadd.s32 s5, s19  }
0x9d: {  	s8 =	simm.s32 $0x0;
	s20 =	sshll.u32 s6, $0x1;
	s6 =	sadd.s32 s21, s4  }
0x9e: {  	[timem:s8], [sflag:s22] =	dma.local [hbm:s6], s20  }
0x9f: {  	_ =	swait.ge [sflag:s22], s20  }
0xa0: {  	s5 =	ssub.s32 $0x0, s20;
	[sflag:s22] =	ssyncset.done $0x0  }
0xa1: {  	[sflag:s22] =	ssyncadd.s32 s5;
	_ =	sdelay $0x1  }
0xa2: {  	s23 =	simm.s32 $0x1B8B  }
0xa3: {  	_ =	swait.ge [sflag:s23], $0x1  }
0xa4: {  	[sflag:s23] =	ssyncset.done $0x0  }
0xa5: {  	s25 =	simm.s32 $0x1B8E;
	s24 =	sld [smem:$0x3FFE];
	[sflag:s23] =	ssyncadd.s32 $0xFFFFFFFF  }
0xa6: {  	s26 =	simm.s32 $execute0_lowered;
	[smem:$0x3FD2] =	sst s25  }
0xa7: {  	s6 =	sshll.u32 s26, $0x1;
	_ =	strace $0x80000046;
	[dreg:$0x1] =	wrdreg $0xFFFFFFFF  }
0xa8: {  	s28 =	simm.s32 $_size_execute0_lowered;
	s4 =	sadd.s32 s4, s6;
	[dreg:$0x0] =	wrdreg $0x0  }
0xa9: {  	s6 =	sshll.u32 s28, $0x1;
	[dreg:$0x2] =	wrdreg s4  }
0xaa: {  	[dreg:$0x3] =	wrdreg s6  }
0xab: {  	[dreg:$0x4] =	wrdreg $0xC0  }
0xac: {  	_ =	task [dreg:s8], $0x5FFFF  }
0xad: {  	[dreg:$0x1] =	wrdreg $0xFFFFFFFF  }
0xae: {  	[dreg:$0x0] =	wrdreg $0x60  }
0xaf: {  	[dreg:$0x2] =	wrdreg s2  }
0xb0: {  	[dreg:$0x3] =	wrdreg s24  }
0xb1: {  	[dreg:$0x4] =	wrdreg s18  }
0xb2: {  	[dreg:$0x5] =	wrdreg $0x9  }
0xb3: {  	_ =	task.clear_ibuf [dreg:s8], $0x6FFFF;
	_ =	strace $0x90000046  }
0xb4: {  	s29 =	simm.s32 $0x9;
	_ =	strace $0x80000048  }
0xb5: {  	_ =	swait.ge [sflag:s29], $0x1  }
0xb6: {  	[sflag:s29] =	ssyncadd.s32 $0xFFFFFFFF  }
0xb7: {  	_ =	strace $0x90000048  }
0xb8: {  	_ =	sfence  }
0xb9: {  	s30 =	sld [smem:$0x0];
	_ =	sdelay $0x2  }
0xba: {  	s31 =	sshll.u32 s1, $0xD;
	s1 =	sshrl.u32 s1, $0x2  }
0xbb: {  	s3 =	sand.u32 $0x4000, s31;
	s1 =	sadd.s32 s1, s30  }
0xbc: {  	s0 =	sor.u32 s3, s0;
	s1 =	sshll.u32 s1, $0x11  }
0xbd: {  	s0 =	sor.u32 s1, s0  }
0xbe: {  	s0 =	sadd.s32 $0x8F2B, s0  }
0xbf: {  	[sflag:s0] =	ssyncadd.remote.s32 $0x1  }
0xc0: {  	_ =	sfence.sel $0xFFFF  }
0xc1: {  	[dreg:$0x0] =	wrdreg $0xFFFFFFFF;
	(pc) =	sbr.abs _section_cstart, $3  }
0xc2: {  	[dreg:$0x1] =	wrdreg $0xFFFFFFFF  }
0xc3: {  	_ =	task.clear_ibuf [dreg:s8], $0x2FFFF;
	_ =	strace $0x9FFFFFFF  }
0xc4: {  	(tm) =	ssettm $0x7FFFFFFF  }
0xc5: {  	_ =	shalt  }
tec
execute0_lowered:
.L_overlay_start_1:
0x0: {  	(tag) =	ssettag $0x1  }
0x1: {  	s6 =	rddreg [dreg:$0x0]  }
0x2: {  	s5 =	rddreg [dreg:$0x1]  }
0x3: {  	s1 =	srdreg.scid;
	s0 =	stileid.u32  }
0x4: {  	s2 =	rddreg [dreg:$0x2];
	s13 =	simm.s32 $0x7980;
	s14 =	simm.s32 $0x1  }
0x5: {  	s15 =	simm.s32 $0xA200;
	s16 =	simm.s32 $0x7A80;
	s17 =	simm.s32 $0x400  }
0x6: {  	s18 =	simm.s32 $0x0;
	s4 =	sand.u32 $0x1, s1;
	s3 =	sshll.u32 s0, $0x1  }
0x7: {  	s1 =	rddreg [dreg:$0x3];
	s7 =	sshrl.u32 s0, $0x2;
	s10 =	sor.u32 s4, s3  }
0x8: {  	s3 =	simm.s32 $0x0;
	s7 =	smul.u32 $0x13C00, s7;
	s31 =	ssub.s32 $0x2, s4  }
0x9: {  	s4 =	sadd.s32 $0x1200, s5;
	s8 =	sshll.u32 s10, $0x7;
	[smem:$0x7FF] =	sst s3  }
0xa: {  	s9 =	sshrl.u32 s31, $0x1;
	s11 =	smul.u32 $0x9C0, s10;
	s8 =	sand.u32 $0x380, s8  }
.Ltmp0:
0xb: {  	p0 =	sne.s32 s10, $0x1F;
	s7 =	sor.u32 s7, s8;
	(pc) =	sbr.rel .LBB2_1-.Ltmp0, $4  }
0xc: {  	s10 =	simm.s32 $0x80;
	s9 =	ssub.s32 s31, s9;
	s7 =	sshrl.u32 s7, $0x3  }
0xd: {  	_ =	strace $0x80000047;
	s9 =	smax.u32 s9, $0x1;
	s12 =	sadd.s32 s7, s5  }
0xe: {  	s5 =	sadd.s32 s6, s11;
	s6 =	sadd.s32 $0x13800, s6;
	s11 =	simm.s32 $0x100  }
0xf: {  	v0 =	vimm.f32 $0.0e+00;
	s7 =	sadd.s32 $0x1C00, s12;
	s8 =	sadd.s32 $0xBA00, s12;
	s12 =	simm.s32 $0x5200  }
.LBB2_8:
0x10: {  	v19 =	vmul.f32 v26, v2;
	v27 =	vmul.f32 v27, v2  }
0x11: {  	v49 =	vmul.f32 $2.000000030e-01, v23;
	v20 =	vmul.f32 v20, v2  }
0x12: {  	v24 =	vmul.f32 v24, v2;
	v50 =	vmul.f32 v18, v1;
	v21 =	vadd.f32 v27, v21  }
0x13: {  	vm0 =	vge.f32 v23, $0.0e+00;
	v2 =	vmul.f32 v25, v2;
	(erf) = vpow2.f32 v28  }
0x14: {  	v23 =	vsel vm0, v23, v49;
	v24 =	vadd.f32 v24, v50;
	v51 =	vmul.f32 $2.000000030e-01, v21  }
0x15: {  	v1 =	vmul.f32 v15, v1;
	v23 =	vmul.f32 $1.442695020e+00, v23;
	vm12 =	vge.f32 v21, $0.0e+00  }
0x16: {  	v19 =	vadd.f32 v19, v29;
	v27 =	vmul.f32 $2.000000030e-01, v24;
	v21 =	vsel vm12, v21, v51  }
0x17: {  	vm1 =	vge.f32 v24, $0.0e+00;
	(erf) = vpow2.f32 v23;
	v21 =	vmul.f32 $1.442695020e+00, v21  }
0x18: {  	v2 =	vadd.f32 v2, v22;
	v52 =	vmul.f32 $2.000000030e-01, v19;
	v53 =	vsel vm1, v24, v27  }
0x19: {  	v1 =	vadd.f32 v20, v1;
	v54 =	vmul.f32 $1.442695020e+00, v53;
	(erf) = vpow2.f32 v21  }
0x1a: {  	vm13 =	vge.f32 v19, $0.0e+00;
	v55 =	vmul.f32 $2.000000030e-01, v2;
	vm14 =	vge.f32 v2, $0.0e+00  }
0x1b: {  	v56 =	vmul.f32 $2.000000030e-01, v1;
	v19 =	vsel vm13, v19, v52;
	(erf) = vpow2.f32 v54  }
0x1c: {  	v57 =	vpop (erf);
	vm15 =	vge.f32 v1, $0.0e+00;
	v2 =	vsel vm14, v2, v55;
	v19 =	vmul.f32 $1.442695020e+00, v19  }
0x1d: {  	v17 =	vmul.f32 v57, v17;
	v1 =	vsel vm15, v1, v56;
	v2 =	vmul.f32 $1.442695020e+00, v2  }
0x1e: {  	[tilespmem:v11+s15+$0x0] =	vst.idx.add.f32.msk $0xffff, v57;
	v1 =	vmul.f32 $1.442695020e+00, v1;
	v58 =	vpop (erf);
	(erf) = vpow2.f32 v19  }
0x1f: {  	[tilespmem:v11+s16+$0x0] =	vst.idx.add.f32.msk $0xffff, v17;
	v60 =	vmul.f32 v58, v14;
	(erf) = vpow2.f32 v2  }
0x20: {  	[tilespmem:v4+s15+$0x0] =	vst.idx.add.f32.msk $0xffff, v58;
	(erf) = vpow2.f32 v1;
	v59 =	vpop (erf)  }
0x21: {  	[tilespmem:v4+s16+$0x0] =	vst.idx.add.f32.msk $0xffff, v60;
	v2 =	vmul.f32 v59, v16  }
0x22: {  	[tilespmem:v9+s15+$0x0] =	vst.idx.add.f32.msk $0xffff, v59;
	v1 =	vpop (erf)  }
0x23: {  	[tilespmem:v9+s16+$0x0] =	vst.idx.add.f32.msk $0xffff, v2;
	v2 =	vmul.f32 v1, v13  }
0x24: {  	[tilespmem:v12+s15+$0x0] =	vst.idx.add.f32.msk $0xffff, v1;
	v1 =	vpop (erf)  }
0x25: {  	[tilespmem:v3+s15+$0x0] =	vst.idx.add.f32.msk $0xffff, v1;
	v1 =	vmul.f32 v1, v18  }
0x26: {  	[tilespmem:v12+s16+$0x0] =	vst.idx.add.f32.msk $0xffff, v2  }
0x27: {  	[tilespmem:v3+s16+$0x0] =	vst.idx.add.f32.msk $0xffff, v1;
	v2 =	vpop (erf)  }
0x28: {  	[tilespmem:v5+s15+$0x0] =	vst.idx.add.f32.msk $0xffff, v2;
	v61 =	vpop (erf)  }
0x29: {  	v2 =	vmul.f32 v2, v10;
	[tilespmem:v8+s15+$0x0] =	vst.idx.add.f32.msk $0xffff, v61;
	v62 =	vpop (erf)  }
0x2a: {  	v4 =	vmul.f32 v61, v7;
	[tilespmem:v6+s15+$0x0] =	vst.idx.add.f32.msk $0xffff, v62  }
0x2b: {  	v63 =	vmul.f32 v62, v15;
	[tilespmem:v5+s16+$0x0] =	vst.idx.add.f32.msk $0xffff, v2  }
0x2c: {  	[tilespmem:v8+s16+$0x0] =	vst.idx.add.f32.msk $0xffff, v4  }
0x2d: {  	[tilespmem:v6+s16+$0x0] =	vst.idx.add.f32.msk $0xffff, v63  }
.LBB2_9:
0x2e: {  	[hbm4b:s7+s10] =	stream.strided.scatter [tilespmem:s16], [sflag:$0x1], $0x2780, s17, s10, $0x38;
	[tilespmem:$0xC980] =	vst v63  }
0x2f: {  	s18 =	sadd.s32 $0x1, s18;
	_ =	swait.ge [sflag:s14], $0x2780  }
0x30: {  	p1 =	sne.s32 s18, s9;
	[sflag:s14] =	ssyncset.done $0x0  }
.Ltmp1:
0x31: {  	[sflag:s14] =	ssyncadd.s32 $0xFFFFD880;
	(pc) =	sbr.rel @!p1 .LBB2_10-.Ltmp1, $4  }
0x32: {  	[hbm4b:s8+s10] =	stream.strided.scatter [tilespmem:s15], [sflag:$0x1], $0x2780, s17, s10, $0x38;
	[tilespmem:$0xC980] =	vst v63  }
0x33: {  	_ =	swait.ge [sflag:s14], $0x2780  }
0x34: {  	[sflag:s14] =	ssyncset.done $0x0  }
0x35: {  	[sflag:s14] =	ssyncadd.s32 $0xFFFFD880  }
.LBB2_1:
0x36: {  	[tilespmem:s3], [sflag:$0x1] =	stream.linear.gather [hbm4b:s5+s3], $0x4E00, $0x38;
	[tilespmem:$0xC980] =	vst v63  }
0x37: {  	_ = 	snop  }
0x38: {  	[tilespmem:s12], [sflag:$0x1] =	stream.strided.gather [hbm4b:s4+s10], $0x2780, s11, s10, $0x38;
	[tilespmem:$0xC980] =	vst v63  }
0x39: {  	_ = 	snop  }
0x3a: {  	[tilespmem:s13], [sflag:$0x1] =	stream.linear.gather [hbm4b:s2+s3], $0x100, $0x38;
	[tilespmem:$0xC980] =	vst v63  }
0x3b: {  	s19 =	simm.s32 @!p0 $0x0;
	s20 =	simm.s32 @!p0 $0x4E00  }
0x3c: {  	[tilespmem:s20], [sflag:$0x1] =	stream.linear.gather @!p0 [hbm4b:s6+s19], $0x400, $0x38;
	[tilespmem:$0xC980] =	vst v63  }
0x3d: {  	s19 =	simm.s32 @!p0 $0x1  }
0x3e: {  	_ =	swait.ge @!p0 [sflag:s19], $0x400  }
0x3f: {  	[sflag:s19] =	ssyncset.done @!p0 $0x0  }
0x40: {  	s20 =	simm.s32 $0x140;
	[sflag:s19] =	ssyncadd.s32 @!p0 $0xFFFFFC00;
	s19 =	simm.s32 $0x0  }
.LBB2_2:
0x41: {  	p1 =	sne.s32 s20, $0x9B00;
	[tilespmem:s19+$0xA240] =	vst v0  }
0x42: {  	[tilespmem:s19+$0x7A80] =	vst v0  }
0x43: {  	[tilespmem:s19+$0xA200] =	vst v0  }
0x44: {  	[tilespmem:s19+$0x7A90] =	vst v0  }
0x45: {  	[tilespmem:s19+$0xA210] =	vst v0  }
.Ltmp2:
0x46: {  	[tilespmem:s19+$0x7AA0] =	vst v0;
	(pc) =	sbr.rel @p1 .LBB2_2-.Ltmp2, $4  }
0x47: {  	[tilespmem:s19+$0xA220] =	vst v0  }
0x48: {  	[tilespmem:s19+$0x7AB0] =	vst v0  }
0x49: {  	[tilespmem:s19+$0xA230] =	vst v0  }
0x4a: {  	[tilespmem:s19+$0x7AC0] =	vst v0;
	s19 =	sshra.s32 s20, $0x2;
	s20 =	sadd.s32 $0x140, s20  }
0x4b: {  	[tilespmem:s19+$0xA240] =	vst v0  }
0x4c: {  	[tilespmem:s19+$0x7A80] =	vst v0  }
0x4d: {  	[tilespmem:s19+$0xA200] =	vst v0  }
0x4e: {  	[tilespmem:s19+$0x7A90] =	vst v0  }
0x4f: {  	[tilespmem:s19+$0xA210] =	vst v0  }
0x50: {  	[tilespmem:s19+$0x7AA0] =	vst v0  }
0x51: {  	[tilespmem:s19+$0xA220] =	vst v0  }
0x52: {  	[tilespmem:s19+$0x7AB0] =	vst v0  }
0x53: {  	[tilespmem:s19+$0xA230] =	vst v0  }
0x54: {  	[tilespmem:s19+$0x7AC0] =	vst v0  }
0x55: {  	_ =	swait.ge [sflag:s14], $0x4E00  }
0x56: {  	[sflag:s14] =	ssyncset.done $0x0  }
0x57: {  	[sflag:s14] =	ssyncadd.s32 $0xFFFFB200  }
0x58: {  	_ =	swait.ge [sflag:s14], $0x2780  }
0x59: {  	[sflag:s14] =	ssyncset.done $0x0  }
0x5a: {  	[sflag:s14] =	ssyncadd.s32 $0xFFFFD880  }
0x5b: {  	_ =	swait.ge [sflag:s14], $0x100  }
0x5c: {  	[sflag:s14] =	ssyncset.done $0x0  }
0x5d: {  	[sflag:s14] =	ssyncadd.s32 $0xFFFFFF00  }
0x5e: {  	v1 =	vld [tilespmem:$0x7980]  }
0x5f: {  	s31 =	simm.s32 $0x80;
	v2 =	vld [tilespmem:$0x7A00]  }
0x60: {  	v3 =	vld [tilespmem:s31+$0x50]  }
0x61: {  	v4 =	vld [tilespmem:s31+$0x20]  }
0x62: {  	v5 =	vld [tilespmem:s31+$0xFFFFFF90]  }
0x63: {  	v10 =	vld [tilespmem:s31+$0xFFFFFFB0]  }
0x64: {  	v9 =	vld [tilespmem:s31+$0x60]  }
0x65: {  	v11 =	vld [tilespmem:s31+$0x70]  }
0x66: {  	v6 =	vld [tilespmem:s31+$0xFFFFFFF0]  }
0x67: {  	v15 =	vld [tilespmem:s31+$0xFFFFFFE0]  }
0x68: {  	v8 =	vld [tilespmem:s31+$0xFFFFFFA0]  }
0x69: {  	v19 =	vld [tilespmem:s31+$0xFFFFFFC0]  }
0x6a: {  	v16 =	vld [tilespmem:s31+$0xFFFFFF80]  }
0x6b: {  	v12 =	vld [tilespmem:s31+$0x30]  }
0x6c: {  	v18 =	vld.idx.msk [tilespmem:v4+s12+$0x0], $0xffff  }
0x6d: {  	v7 =	vld.idx.msk [tilespmem:v5+s12+$0x0], $0xffff  }
0x6e: {  	v13 =	vld.idx.msk [tilespmem:v11+s12+$0x0], $0xffff  }
0x6f: {  	v17 =	vld.idx.msk [tilespmem:v6+s12+$0x0], $0xffff  }
0x70: {  	v22 =	vld.idx.msk [tilespmem:v9+s12+$0x0], $0xffff  }
0x71: {  	v5 =	vld [tilespmem:s31+$0x0]  }
0x72: {  	v14 =	vld.idx.msk [tilespmem:v8+s12+$0x0], $0xffff  }
0x73: {  	v6 =	vld [tilespmem:s31+$0x40]  }
0x74: {  	v8 =	vld [tilespmem:s31+$0x10];
	v20 =	vmul.f32 v13, v2;
	v21 =	vmul.f32 v17, v1  }
0x75: {  	v13 =	vld.idx.msk [tilespmem:v10+s12+$0x0], $0xffff  }
0x76: {  	v10 =	vld.idx.msk [tilespmem:v16+s12+$0x0], $0xffff;
	v21 =	vadd.f32 v20, v21  }
0x77: {  	v16 =	vld.idx.msk [tilespmem:v15+s12+$0x0], $0xffff;
	v15 =	vmul.f32 v14, v1  }
0x78: {  	v30 =	vld [tilespmem:s31+$0xFFFFFFD0];
	v18 =	vmul.f32 v18, v2;
	v23 =	vmul.f32 $2.000000030e-01, v21  }
0x79: {  	vm0 =	vge.f32 v21, $0.0e+00  }
0x7a: {  	v27 =	vld.idx.msk [tilespmem:v12+s12+$0x0], $0xffff;
	v15 =	vadd.f32 v18, v15;
	v18 =	vsel vm0, v21, v23  }
0x7b: {  	v24 =	vld.idx.msk [tilespmem:v3+s12+$0x0], $0xffff;
	v18 =	vmul.f32 $1.442695020e+00, v18  }
0x7c: {  	v22 =	vmul.f32 v22, v2;
	v26 =	vld.idx.msk [tilespmem:v5+s12+$0x0], $0xffff;
	v31 =	vmul.f32 v16, v1  }
0x7d: {  	v20 =	vld.idx.msk [tilespmem:v6+s12+$0x0], $0xffff;
	v23 =	vmul.f32 $2.000000030e-01, v15;
	(erf) = vpow2.f32 v18  }
0x7e: {  	v25 =	vld.idx.msk [tilespmem:v8+s12+$0x0], $0xffff;
	vm15 =	vge.f32 v15, $0.0e+00;
	v29 =	vmul.f32 v10, v1  }
0x7f: {  	v21 =	vmul.f32 v13, v1;
	v18 =	vsel vm15, v15, v23;
	v15 =	vld.idx.msk [tilespmem:v19+s12+$0x0], $0xffff;
	v23 =	vadd.f32 v22, v31  }
0x80: {  	s19 =	simm.s32 $0x0;
	s20 =	simm.s32 $0x180;
	v22 =	vmul.f32 v7, v1;
	v28 =	vmul.f32 $1.442695020e+00, v18;
	v18 =	vld.idx.msk [tilespmem:v30+s12+$0x0], $0xffff  }
.LBB2_4:
0x81: {  	v19 =	vld [tilespmem:s20+$0x50];
	s19 =	sadd.s32 $0x80, s19;
	v26 =	vmul.f32 v26, v2;
	v30 =	vmul.f32 $2.000000030e-01, v23  }
0x82: {  	v27 =	vmul.f32 v27, v2;
	v20 =	vmul.f32 v20, v2;
	v31 =	vld [tilespmem:s20+$0xFFFFFFB0];
	p1 =	slt.u32 s19, $0x2680  }
0x83: {  	vm0 =	vge.f32 v23, $0.0e+00;
	v24 =	vmul.f32 v24, v2;
	v32 =	vld [tilespmem:s20+$0x20];
	v26 =	vadd.f32 v26, v29  }
0x84: {  	v25 =	vmul.f32 v25, v2;
	v21 =	vadd.f32 v27, v21;
	v29 =	vld [tilespmem:s20+$0xFFFFFF90];
	(erf) = vpow2.f32 v28  }
0x85: {  	v33 =	vmul.f32 v15, v1;
	v27 =	vld [tilespmem:s20+$0x70];
	v28 =	vmul.f32 $2.000000030e-01, v26  }
0x86: {  	vm1 =	vge.f32 v26, $0.0e+00;
	v22 =	vadd.f32 v25, v22;
	v25 =	vmul.f32 v18, v1;
	v34 =	vld [tilespmem:s20+$0x60];
	v35 =	vpop (erf)  }
0x87: {  	v23 =	vsel vm0, v23, v30;
	v36 =	vld [tilespmem:s20+$0xFFFFFFF0];
	v26 =	vsel vm1, v26, v28;
	v17 =	vmul.f32 v35, v17  }
0x88: {  	vm0 =	vge.f32 v22, $0.0e+00;
	v24 =	vadd.f32 v24, v25;
	v28 =	vld [tilespmem:s20+$0xFFFFFFE0];
	v26 =	vmul.f32 $1.442695020e+00, v26  }
0x89: {  	v23 =	vmul.f32 $1.442695020e+00, v23;
	vm1 =	vge.f32 v21, $0.0e+00;
	v25 =	vmul.f32 $2.000000030e-01, v21;
	[tilespmem:v11+s15+$0x0] =	vst.idx.add.f32.msk $0xffff, v35  }
0x8a: {  	v20 =	vadd.f32 v20, v33;
	v35 =	vmul.f32 $2.000000030e-01, v22;
	v33 =	vmul.f32 $2.000000030e-01, v24;
	v30 =	vld [tilespmem:s20+$0xFFFFFFA0]  }
0x8b: {  	v21 =	vsel vm1, v21, v25;
	vm1 =	vge.f32 v24, $0.0e+00;
	v37 =	vld.idx.msk [tilespmem:v32+s12+$0x0], $0xffff;
	(erf) = vpow2.f32 v23  }
0x8c: {  	v25 =	vmul.f32 $2.000000030e-01, v20;
	v21 =	vmul.f32 $1.442695020e+00, v21;
	v24 =	vsel vm1, v24, v33;
	v23 =	vld.idx.msk [tilespmem:v29+s12+$0x0], $0xffff  }
0x8d: {  	v22 =	vsel vm0, v22, v35;
	vm0 =	vge.f32 v20, $0.0e+00;
	v24 =	vmul.f32 $1.442695020e+00, v24;
	v33 =	vld [tilespmem:s20+$0xFFFFFFC0];
	v29 =	vpop (erf)  }
0x8e: {  	v22 =	vmul.f32 $1.442695020e+00, v22;
	v20 =	vsel vm0, v20, v25;
	v35 =	vld.idx.msk [tilespmem:v34+s12+$0x0], $0xffff;
	(erf) = vpow2.f32 v21  }
0x8f: {  	v25 =	vmul.f32 v29, v14;
	v21 =	vld [tilespmem:s20+$0xFFFFFF80];
	(erf) = vpow2.f32 v24  }
0x90: {  	v14 =	vmul.f32 $1.442695020e+00, v20;
	v24 =	vld [tilespmem:s20+$0x0]  }
0x91: {  	v38 =	vld [tilespmem:s20+$0x40]  }
0x92: {  	v39 =	vld [tilespmem:s20+$0x10]  }
0x93: {  	v40 =	vld [tilespmem:s20+$0x30]  }
0x94: {  	v41 =	vld.idx.msk [tilespmem:v27+s12+$0x0], $0xffff;
	v20 =	vpop (erf)  }
0x95: {  	[tilespmem:v9+s15+$0x0] =	vst.idx.add.f32.msk $0xffff, v20  }
0x96: {  	v42 =	vld [tilespmem:s20+$0xFFFFFFD0]  }
0x97: {  	[tilespmem:v11+s16+$0x0] =	vst.idx.add.f32.msk $0xffff, v17;
	(erf) = vpow2.f32 v26;
	v26 =	vpop (erf);
	v11 =	vmov v27  }
0x98: {  	v16 =	vmul.f32 v20, v16;
	v17 =	vld.idx.msk [tilespmem:v36+s12+$0x0], $0xffff;
	v27 =	vpop (erf)  }
0x99: {  	v31 =	vld.idx.msk [tilespmem:v31+s12+$0x0], $0xffff;
	v18 =	vmul.f32 v27, v18  }
0x9a: {  	[tilespmem:v9+s16+$0x0] =	vst.idx.add.f32.msk $0xffff, v16;
	v9 =	vmov v34  }
0x9b: {  	v16 =	vld.idx.msk [tilespmem:v21+s12+$0x0], $0xffff;
	v21 =	vmul.f32 v26, v13;
	(erf) = vpow2.f32 v22  }
0x9c: {  	[tilespmem:v12+s15+$0x0] =	vst.idx.add.f32.msk $0xffff, v26;
	(erf) = vpow2.f32 v14  }
0x9d: {  	v14 =	vld.idx.msk [tilespmem:v30+s12+$0x0], $0xffff  }
0x9e: {  	[tilespmem:v4+s15+$0x0] =	vst.idx.add.f32.msk $0xffff, v29  }
0x9f: {  	v13 =	vmov v31;
	v20 =	vld.idx.msk [tilespmem:v38+s12+$0x0], $0xffff  }
0xa0: {  	v22 =	vmul.f32 v41, v2;
	[tilespmem:v12+s16+$0x0] =	vst.idx.add.f32.msk $0xffff, v21;
	v21 =	vpop (erf);
	v12 =	vmov v40  }
0xa1: {  	v26 =	vmul.f32 v17, v1;
	[tilespmem:v5+s15+$0x0] =	vst.idx.add.f32.msk $0xffff, v21;
	v29 =	vmul.f32 v21, v10;
	v10 =	vmov v16  }
0xa2: {  	[tilespmem:v3+s15+$0x0] =	vst.idx.add.f32.msk $0xffff, v27  }
0xa3: {  	v21 =	vadd.f32 v22, v26;
	[tilespmem:v4+s16+$0x0] =	vst.idx.add.f32.msk $0xffff, v25;
	v4 =	vmov v32  }
0xa4: {  	v16 =	vld.idx.msk [tilespmem:v28+s12+$0x0], $0xffff;
	v22 =	vpop (erf)  }
0xa5: {  	v25 =	vmul.f32 $2.000000030e-01, v21;
	[tilespmem:v8+s15+$0x0] =	vst.idx.add.f32.msk $0xffff, v22;
	v22 =	vmul.f32 v22, v7;
	v26 =	vpop (erf);
	v7 =	vmov v23  }
0xa6: {  	v23 =	vmul.f32 v14, v1;
	[tilespmem:v6+s15+$0x0] =	vst.idx.add.f32.msk $0xffff, v26;
	v15 =	vmul.f32 v26, v15  }
0xa7: {  	vm0 =	vge.f32 v21, $0.0e+00;
	v26 =	vmul.f32 v37, v2;
	[tilespmem:v8+s16+$0x0] =	vst.idx.add.f32.msk $0xffff, v22;
	v8 =	vmov v39  }
0xa8: {  	v22 =	vsel vm0, v21, v25;
	[tilespmem:v3+s16+$0x0] =	vst.idx.add.f32.msk $0xffff, v18;
	v3 =	vmov v19  }
0xa9: {  	v21 =	vmul.f32 v13, v1;
	[tilespmem:v5+s16+$0x0] =	vst.idx.add.f32.msk $0xffff, v29;
	v5 =	vmov v24  }
0xaa: {  	v18 =	vadd.f32 v26, v23;
	v22 =	vmul.f32 $1.442695020e+00, v22;
	v19 =	vmul.f32 v16, v1;
	[tilespmem:v6+s16+$0x0] =	vst.idx.add.f32.msk $0xffff, v15  }
0xab: {  	v6 =	vmov v38;
	v26 =	vld.idx.msk [tilespmem:v24+s12+$0x0], $0xffff  }
.Ltmp3:
0xac: {  	v15 =	vmul.f32 $2.000000030e-01, v18;
	v27 =	vld.idx.msk [tilespmem:v40+s12+$0x0], $0xffff;
	(pc) =	sbr.rel @p1 .LBB2_4-.Ltmp3, $4  }
0xad: {  	v23 =	vmul.f32 v35, v2;
	vm0 =	vge.f32 v18, $0.0e+00;
	v24 =	vld.idx.msk [tilespmem:v3+s12+$0x0], $0xffff;
	(erf) = vpow2.f32 v22  }
0xae: {  	v29 =	vmul.f32 v10, v1;
	v15 =	vsel vm0, v18, v15;
	v25 =	vld.idx.msk [tilespmem:v39+s12+$0x0], $0xffff  }
0xaf: {  	v23 =	vadd.f32 v23, v19;
	v28 =	vmul.f32 $1.442695020e+00, v15;
	v15 =	vld.idx.msk [tilespmem:v33+s12+$0x0], $0xffff  }
0xb0: {  	s20 =	sadd.s32 $0x100, s20;
	v22 =	vmul.f32 v7, v1;
	v18 =	vld.idx.msk [tilespmem:v42+s12+$0x0], $0xffff  }
0xb1: {  	_ = 	snop  }
0xb2: {  	v19 =	vmul.f32 v26, v2;
	v27 =	vmul.f32 v27, v2  }
0xb3: {  	v44 =	vmul.f32 $2.000000030e-01, v23;
	v20 =	vmul.f32 v20, v2;
	vm0 =	vge.f32 v23, $0.0e+00  }
0xb4: {  	(erf) = vpow2.f32 v28;
	v24 =	vmul.f32 v24, v2;
	v21 =	vadd.f32 v27, v21  }
0xb5: {  	v25 =	vmul.f32 v25, v2;
	v23 =	vsel vm0, v23, v44;
	v45 =	vmul.f32 v18, v1  }
0xb6: {  	v19 =	vadd.f32 v19, v29;
	v23 =	vmul.f32 $1.442695020e+00, v23;
	v46 =	vmul.f32 $2.000000030e-01, v21  }
0xb7: {  	v48 =	vmul.f32 v15, v1;
	vm12 =	vge.f32 v21, $0.0e+00;
	v24 =	vadd.f32 v24, v45  }
0xb8: {  	v47 =	vmul.f32 $2.000000030e-01, v19;
	(erf) = vpow2.f32 v23;
	v21 =	vsel vm12, v21, v46  }
0xb9: {  	v22 =	vadd.f32 v25, v22;
	v21 =	vmul.f32 $1.442695020e+00, v21;
	v49 =	vmul.f32 $2.000000030e-01, v24  }
0xba: {  	vm13 =	vge.f32 v19, $0.0e+00;
	v20 =	vadd.f32 v20, v48;
	vm1 =	vge.f32 v24, $0.0e+00  }
0xbb: {  	v51 =	vmul.f32 $2.000000030e-01, v22;
	(erf) = vpow2.f32 v21;
	v50 =	vsel vm1, v24, v49  }
0xbc: {  	v19 =	vsel vm13, v19, v47;
	vm14 =	vge.f32 v22, $0.0e+00;
	v23 =	vmul.f32 $1.442695020e+00, v50  }
0xbd: {  	v19 =	vmul.f32 $1.442695020e+00, v19;
	v52 =	vmul.f32 $2.000000030e-01, v20;
	v21 =	vsel vm14, v22, v51  }
0xbe: {  	v53 =	vpop (erf);
	vm15 =	vge.f32 v20, $0.0e+00;
	v21 =	vmul.f32 $1.442695020e+00, v21;
	(erf) = vpow2.f32 v23  }
0xbf: {  	v17 =	vmul.f32 v53, v17;
	v20 =	vsel vm15, v20, v52;
	(erf) = vpow2.f32 v19  }
0xc0: {  	[tilespmem:v11+s15+$0x0] =	vst.idx.add.f32.msk $0xffff, v53;
	v54 =	vpop (erf);
	v20 =	vmul.f32 $1.442695020e+00, v20;
	(erf) = vpow2.f32 v21  }
0xc1: {  	[tilespmem:v11+s16+$0x0] =	vst.idx.add.f32.msk $0xffff, v17;
	v60 =	vmul.f32 v54, v14  }
0xc2: {  	[tilespmem:v4+s15+$0x0] =	vst.idx.add.f32.msk $0xffff, v54;
	v55 =	vpop (erf);
	(erf) = vpow2.f32 v20  }
0xc3: {  	[tilespmem:v4+s16+$0x0] =	vst.idx.add.f32.msk $0xffff, v60;
	v16 =	vmul.f32 v55, v16  }
0xc4: {  	[tilespmem:v9+s15+$0x0] =	vst.idx.add.f32.msk $0xffff, v55;
	v56 =	vpop (erf)  }
0xc5: {  	[tilespmem:v9+s16+$0x0] =	vst.idx.add.f32.msk $0xffff, v16;
	v57 =	vmul.f32 v56, v13  }
0xc6: {  	[tilespmem:v12+s15+$0x0] =	vst.idx.add.f32.msk $0xffff, v56  }
0xc7: {  	[tilespmem:v12+s16+$0x0] =	vst.idx.add.f32.msk $0xffff, v57;
	v58 =	vpop (erf)  }
0xc8: {  	v59 =	vpop (erf);
	[tilespmem:v3+s15+$0x0] =	vst.idx.add.f32.msk $0xffff, v58  }
0xc9: {  	v11 =	vmul.f32 v58, v18;
	[tilespmem:v5+s15+$0x0] =	vst.idx.add.f32.msk $0xffff, v59;
	v61 =	vpop (erf)  }
0xca: {  	[tilespmem:v8+s15+$0x0] =	vst.idx.add.f32.msk $0xffff, v61  }
.Ltmp4:
0xcb: {  	v9 =	vmul.f32 v59, v10;
	v62 =	vpop (erf);
	[tilespmem:v3+s16+$0x0] =	vst.idx.add.f32.msk $0xffff, v11;
	(pc) =	sbr.rel @p0 .LBB2_9-.Ltmp4, $4  }
0xcc: {  	v4 =	vmul.f32 v61, v7;
	[tilespmem:v6+s15+$0x0] =	vst.idx.add.f32.msk $0xffff, v62  }
0xcd: {  	v63 =	vmul.f32 v62, v15;
	[tilespmem:v5+s16+$0x0] =	vst.idx.add.f32.msk $0xffff, v9  }
0xce: {  	[tilespmem:v8+s16+$0x0] =	vst.idx.add.f32.msk $0xffff, v4  }
0xcf: {  	[tilespmem:v6+s16+$0x0] =	vst.idx.add.f32.msk $0xffff, v63  }
0xd0: {  	s19 =	simm.s32 $0x4E80  }
0xd1: {  	v3 =	vld [tilespmem:s19+$0x50]  }
0xd2: {  	v4 =	vld [tilespmem:s19+$0x20]  }
0xd3: {  	v5 =	vld [tilespmem:s19+$0xFFFFFF90]  }
0xd4: {  	v10 =	vld [tilespmem:s19+$0xFFFFFFB0]  }
0xd5: {  	v9 =	vld [tilespmem:s19+$0x60]  }
0xd6: {  	v11 =	vld [tilespmem:s19+$0x70]  }
0xd7: {  	v6 =	vld [tilespmem:s19+$0xFFFFFFF0]  }
0xd8: {  	v15 =	vld [tilespmem:s19+$0xFFFFFFE0]  }
0xd9: {  	v8 =	vld [tilespmem:s19+$0xFFFFFFA0]  }
0xda: {  	v19 =	vld [tilespmem:s19+$0xFFFFFFC0]  }
0xdb: {  	v16 =	vld [tilespmem:s19+$0xFFFFFF80]  }
0xdc: {  	v12 =	vld [tilespmem:s19+$0x30]  }
0xdd: {  	v18 =	vld.idx.msk [tilespmem:v4+s12+$0x0], $0xffff  }
0xde: {  	v7 =	vld.idx.msk [tilespmem:v5+s12+$0x0], $0xffff  }
0xdf: {  	v13 =	vld.idx.msk [tilespmem:v11+s12+$0x0], $0xffff  }
0xe0: {  	v17 =	vld.idx.msk [tilespmem:v6+s12+$0x0], $0xffff  }
0xe1: {  	v22 =	vld.idx.msk [tilespmem:v9+s12+$0x0], $0xffff  }
0xe2: {  	v5 =	vld [tilespmem:s19+$0x0]  }
0xe3: {  	v14 =	vld.idx.msk [tilespmem:v8+s12+$0x0], $0xffff  }
0xe4: {  	v6 =	vld [tilespmem:s19+$0x40]  }
0xe5: {  	v8 =	vld [tilespmem:s19+$0x10];
	v20 =	vmul.f32 v13, v2;
	v21 =	vmul.f32 v17, v1  }
0xe6: {  	v13 =	vld.idx.msk [tilespmem:v10+s12+$0x0], $0xffff  }
0xe7: {  	v10 =	vld.idx.msk [tilespmem:v16+s12+$0x0], $0xffff;
	v21 =	vadd.f32 v20, v21  }
0xe8: {  	v16 =	vld.idx.msk [tilespmem:v15+s12+$0x0], $0xffff;
	v15 =	vmul.f32 v14, v1  }
0xe9: {  	v30 =	vld [tilespmem:s19+$0xFFFFFFD0];
	v18 =	vmul.f32 v18, v2;
	v23 =	vmul.f32 $2.000000030e-01, v21  }
0xea: {  	vm0 =	vge.f32 v21, $0.0e+00  }
0xeb: {  	v27 =	vld.idx.msk [tilespmem:v12+s12+$0x0], $0xffff;
	v15 =	vadd.f32 v18, v15;
	v18 =	vsel vm0, v21, v23  }
0xec: {  	v24 =	vld.idx.msk [tilespmem:v3+s12+$0x0], $0xffff;
	v18 =	vmul.f32 $1.442695020e+00, v18  }
0xed: {  	v22 =	vmul.f32 v22, v2;
	v26 =	vld.idx.msk [tilespmem:v5+s12+$0x0], $0xffff;
	v31 =	vmul.f32 v16, v1  }
0xee: {  	v20 =	vld.idx.msk [tilespmem:v6+s12+$0x0], $0xffff;
	v23 =	vmul.f32 $2.000000030e-01, v15;
	(erf) = vpow2.f32 v18  }
0xef: {  	v25 =	vld.idx.msk [tilespmem:v8+s12+$0x0], $0xffff;
	vm15 =	vge.f32 v15, $0.0e+00;
	v29 =	vmul.f32 v10, v1  }
0xf0: {  	v21 =	vmul.f32 v13, v1;
	v18 =	vsel vm15, v15, v23;
	v15 =	vld.idx.msk [tilespmem:v19+s12+$0x0], $0xffff;
	v23 =	vadd.f32 v22, v31  }
0xf1: {  	s20 =	simm.s32 $0x4F80;
	s19 =	simm.s32 $0x0;
	v22 =	vmul.f32 v7, v1;
	v28 =	vmul.f32 $1.442695020e+00, v18;
	v18 =	vld.idx.msk [tilespmem:v30+s12+$0x0], $0xffff  }
.LBB2_7:
0xf2: {  	v19 =	vld [tilespmem:s20+$0x50];
	s19 =	sadd.s32 $0x80, s19;
	v26 =	vmul.f32 v26, v2;
	v30 =	vmul.f32 $2.000000030e-01, v23  }
0xf3: {  	v27 =	vmul.f32 v27, v2;
	v20 =	vmul.f32 v20, v2;
	v31 =	vld [tilespmem:s20+$0xFFFFFFB0];
	p1 =	slt.u32 s19, $0x180  }
0xf4: {  	v24 =	vmul.f32 v24, v2;
	vm0 =	vge.f32 v23, $0.0e+00;
	v32 =	vld [tilespmem:s20+$0x20];
	v26 =	vadd.f32 v26, v29  }
0xf5: {  	v25 =	vmul.f32 v25, v2;
	v21 =	vadd.f32 v27, v21;
	v29 =	vld [tilespmem:s20+$0xFFFFFF90];
	(erf) = vpow2.f32 v28  }
0xf6: {  	v33 =	vmul.f32 v15, v1;
	v27 =	vld [tilespmem:s20+$0x70];
	v28 =	vmul.f32 $2.000000030e-01, v26  }
0xf7: {  	v22 =	vadd.f32 v25, v22;
	v25 =	vmul.f32 v18, v1;
	vm1 =	vge.f32 v26, $0.0e+00;
	v34 =	vld [tilespmem:s20+$0x60];
	v35 =	vpop (erf)  }
0xf8: {  	v23 =	vsel vm0, v23, v30;
	v36 =	vld [tilespmem:s20+$0xFFFFFFF0];
	v26 =	vsel vm1, v26, v28;
	v17 =	vmul.f32 v35, v17  }
0xf9: {  	vm0 =	vge.f32 v22, $0.0e+00;
	v24 =	vadd.f32 v24, v25;
	v28 =	vld [tilespmem:s20+$0xFFFFFFE0];
	v26 =	vmul.f32 $1.442695020e+00, v26  }
0xfa: {  	v23 =	vmul.f32 $1.442695020e+00, v23;
	v25 =	vmul.f32 $2.000000030e-01, v21;
	vm1 =	vge.f32 v21, $0.0e+00;
	[tilespmem:v11+s15+$0x0] =	vst.idx.add.f32.msk $0xffff, v35  }
0xfb: {  	v20 =	vadd.f32 v20, v33;
	v33 =	vmul.f32 $2.000000030e-01, v24;
	v35 =	vmul.f32 $2.000000030e-01, v22;
	v30 =	vld [tilespmem:s20+$0xFFFFFFA0]  }
0xfc: {  	v21 =	vsel vm1, v21, v25;
	vm1 =	vge.f32 v24, $0.0e+00;
	v37 =	vld.idx.msk [tilespmem:v32+s12+$0x0], $0xffff;
	(erf) = vpow2.f32 v23  }
0xfd: {  	v25 =	vmul.f32 $2.000000030e-01, v20;
	v21 =	vmul.f32 $1.442695020e+00, v21;
	v24 =	vsel vm1, v24, v33;
	v23 =	vld.idx.msk [tilespmem:v29+s12+$0x0], $0xffff  }
0xfe: {  	v24 =	vmul.f32 $1.442695020e+00, v24;
	v22 =	vsel vm0, v22, v35;
	vm0 =	vge.f32 v20, $0.0e+00;
	v33 =	vld [tilespmem:s20+$0xFFFFFFC0];
	v29 =	vpop (erf)  }
0xff: {  	v22 =	vmul.f32 $1.442695020e+00, v22;
	v20 =	vsel vm0, v20, v25;
	v35 =	vld.idx.msk [tilespmem:v34+s12+$0x0], $0xffff;
	(erf) = vpow2.f32 v21  }
0x100: {  	v25 =	vmul.f32 v29, v14;
	v21 =	vld [tilespmem:s20+$0xFFFFFF80];
	(erf) = vpow2.f32 v24  }
0x101: {  	v14 =	vmul.f32 $1.442695020e+00, v20;
	v24 =	vld [tilespmem:s20+$0x0]  }
0x102: {  	v38 =	vld [tilespmem:s20+$0x40]  }
0x103: {  	v39 =	vld [tilespmem:s20+$0x10]  }
0x104: {  	v40 =	vld [tilespmem:s20+$0x30]  }
0x105: {  	v41 =	vld.idx.msk [tilespmem:v27+s12+$0x0], $0xffff;
	v20 =	vpop (erf)  }
0x106: {  	[tilespmem:v9+s15+$0x0] =	vst.idx.add.f32.msk $0xffff, v20  }
0x107: {  	v42 =	vld [tilespmem:s20+$0xFFFFFFD0]  }
0x108: {  	[tilespmem:v11+s16+$0x0] =	vst.idx.add.f32.msk $0xffff, v17;
	(erf) = vpow2.f32 v26;
	v26 =	vpop (erf);
	v11 =	vmov v27  }
0x109: {  	v16 =	vmul.f32 v20, v16;
	v17 =	vld.idx.msk [tilespmem:v36+s12+$0x0], $0xffff;
	v27 =	vpop (erf)  }
0x10a: {  	v31 =	vld.idx.msk [tilespmem:v31+s12+$0x0], $0xffff;
	v18 =	vmul.f32 v27, v18  }
0x10b: {  	[tilespmem:v9+s16+$0x0] =	vst.idx.add.f32.msk $0xffff, v16;
	v9 =	vmov v34  }
0x10c: {  	v16 =	vld.idx.msk [tilespmem:v21+s12+$0x0], $0xffff;
	v21 =	vmul.f32 v26, v13;
	(erf) = vpow2.f32 v22  }
0x10d: {  	[tilespmem:v12+s15+$0x0] =	vst.idx.add.f32.msk $0xffff, v26;
	(erf) = vpow2.f32 v14  }
0x10e: {  	v14 =	vld.idx.msk [tilespmem:v30+s12+$0x0], $0xffff  }
0x10f: {  	[tilespmem:v4+s15+$0x0] =	vst.idx.add.f32.msk $0xffff, v29  }
0x110: {  	v13 =	vmov v31;
	v20 =	vld.idx.msk [tilespmem:v38+s12+$0x0], $0xffff  }
0x111: {  	v22 =	vmul.f32 v41, v2;
	[tilespmem:v12+s16+$0x0] =	vst.idx.add.f32.msk $0xffff, v21;
	v21 =	vpop (erf);
	v12 =	vmov v40  }
0x112: {  	v26 =	vmul.f32 v17, v1;
	[tilespmem:v5+s15+$0x0] =	vst.idx.add.f32.msk $0xffff, v21;
	v29 =	vmul.f32 v21, v10;
	v10 =	vmov v16  }
0x113: {  	[tilespmem:v3+s15+$0x0] =	vst.idx.add.f32.msk $0xffff, v27  }
0x114: {  	v21 =	vadd.f32 v22, v26;
	[tilespmem:v4+s16+$0x0] =	vst.idx.add.f32.msk $0xffff, v25;
	v4 =	vmov v32  }
0x115: {  	v16 =	vld.idx.msk [tilespmem:v28+s12+$0x0], $0xffff;
	v22 =	vpop (erf)  }
0x116: {  	v25 =	vmul.f32 $2.000000030e-01, v21;
	[tilespmem:v8+s15+$0x0] =	vst.idx.add.f32.msk $0xffff, v22;
	v22 =	vmul.f32 v22, v7;
	v26 =	vpop (erf);
	v7 =	vmov v23  }
0x117: {  	v23 =	vmul.f32 v14, v1;
	[tilespmem:v6+s15+$0x0] =	vst.idx.add.f32.msk $0xffff, v26;
	v15 =	vmul.f32 v26, v15  }
0x118: {  	vm0 =	vge.f32 v21, $0.0e+00;
	v26 =	vmul.f32 v37, v2;
	[tilespmem:v8+s16+$0x0] =	vst.idx.add.f32.msk $0xffff, v22;
	v8 =	vmov v39  }
0x119: {  	v22 =	vsel vm0, v21, v25;
	[tilespmem:v3+s16+$0x0] =	vst.idx.add.f32.msk $0xffff, v18;
	v3 =	vmov v19  }
0x11a: {  	v21 =	vmul.f32 v13, v1;
	[tilespmem:v5+s16+$0x0] =	vst.idx.add.f32.msk $0xffff, v29;
	v5 =	vmov v24  }
0x11b: {  	v18 =	vadd.f32 v26, v23;
	v22 =	vmul.f32 $1.442695020e+00, v22;
	v19 =	vmul.f32 v16, v1;
	[tilespmem:v6+s16+$0x0] =	vst.idx.add.f32.msk $0xffff, v15  }
0x11c: {  	v6 =	vmov v38;
	v26 =	vld.idx.msk [tilespmem:v24+s12+$0x0], $0xffff  }
.Ltmp5:
0x11d: {  	v15 =	vmul.f32 $2.000000030e-01, v18;
	v27 =	vld.idx.msk [tilespmem:v40+s12+$0x0], $0xffff;
	(pc) =	sbr.rel @p1 .LBB2_7-.Ltmp5, $4  }
0x11e: {  	v23 =	vmul.f32 v35, v2;
	vm0 =	vge.f32 v18, $0.0e+00;
	v24 =	vld.idx.msk [tilespmem:v3+s12+$0x0], $0xffff;
	(erf) = vpow2.f32 v22  }
0x11f: {  	v29 =	vmul.f32 v10, v1;
	v15 =	vsel vm0, v18, v15;
	v25 =	vld.idx.msk [tilespmem:v39+s12+$0x0], $0xffff  }
0x120: {  	v23 =	vadd.f32 v23, v19;
	v28 =	vmul.f32 $1.442695020e+00, v15;
	v15 =	vld.idx.msk [tilespmem:v33+s12+$0x0], $0xffff  }
0x121: {  	s20 =	sadd.s32 $0x100, s20;
	v22 =	vmul.f32 v7, v1;
	v18 =	vld.idx.msk [tilespmem:v42+s12+$0x0], $0xffff  }
.Ltmp6:
0x122: {  	_ = 	snop;
	(pc) =	sbr.rel .LBB2_8-.Ltmp6, $1  }
0x123: {  	_ =	sdelay $0x3  }
.LBB2_10:
0x124: {  	_ =	sfence.sel $0x180000  }
0x125: {  	[bflag:$0x0] =	sbarrier.arrive $0xFFFF  }
0x126: {  	p0 =	sne.s32 s0, $0x0;
	_ =	strace $0x90000047  }
0x127: {  	s0 =	sadd.s32 @!p0 $0x100000, s1;
	[bflag:$0x2] =	sbarrier.arrive $0xFFFF  }
0x128: {  	[sflag:s0] =	ssyncadd.tile.s32 @!p0 $0x1;
	_ =	shalt  }
.Lfunc_end2:
_tile_overlayer_lowered:
.L_overlay_start_2:
0x129: {  	(tag) =	ssettag $0x2  }
0x12a: {  	s0 =	rddreg [dreg:$0x0];
	s2 =	stileid.u32  }
0x12b: {  	s1 =	rddreg [dreg:$0x1];
	p0 =	sne.s32 s2, $0x0  }
0x12c: {  	s3 =	rddreg [dreg:$0x2];
	[bflag:$0x3] =	sbarrier.arrive $0xFFFF;
	s2 =	simm.s32 @!p0 $0x1C02  }
0x12d: {  	[timem:s3], [sflag:s2] =	dma.local @!p0 [hbm:s0], s1  }
0x12e: {  	s0 =	simm.s32 @!p0 $0x2  }
0x12f: {  	_ =	swait.ge @!p0 [sflag:s0], s1  }
0x130: {  	s1 =	ssub.s32 @!p0 $0x0, s1;
	[sflag:s0] =	ssyncset.done @!p0 $0x0  }
0x131: {  	[sflag:s0] =	ssyncadd.s32 @!p0 s1  }
0x132: {  	[bflag:$0x3] =	sbarrier.arrive $0xFFFF  }
0x133: {  	_ =	shalt  }

</sc_bundles>
